<compile_context>
chip_gen: v7x
topology: tpu7x:2x2x1
jax: 0.10.2.dev20260603
libtpu: 0.0.44.dev20260713+nightly
codegen_flags: <defaults>
</compile_context>

<pallas_src>
import dataclasses
import functools

import jax
import jax.numpy as jnp
from jax import lax
from jax.experimental import pallas as pl
from jax.experimental.pallas import tpu as pltpu
from jax.experimental.pallas import tpu_sc as plsc

_N = 10000
_E = 320000
_F = 128
_H = 128
_C = 40
_CPAD = 64

_NC = 2
_NS = 16
_NW = _NC * _NS
_EPT = _E // _NW
_K = 80
_NCH = 125
_EPAD = _NCH * _K
_NPAD = _N
_RPT = _N // _NS
_ZPT = _NPAD // _NS

_BN = 1000


def _vector_mesh():
    return plsc.VectorSubcoreMesh(core_axis_name="c", subcore_axis_name="s")


def _sc_compiler_params():
    cp = pltpu.CompilerParams()
    fields = pltpu.CompilerParams.__dataclass_fields__
    if "needs_layout_passes" in fields:
        cp = dataclasses.replace(cp, needs_layout_passes=False)
    if "use_tc_tiling_on_sc" in fields:
        cp = dataclasses.replace(cp, use_tc_tiling_on_sc=False)
    return cp



@functools.cache
def _make_deg_kernel():
    @functools.partial(
        pl.kernel,
        out_type=jax.ShapeDtypeStruct((_N // _BN, _NW, _BN), jnp.float32),
        mesh=_vector_mesh(),
        compiler_params=_sc_compiler_params(),
        scratch_types=[
            pltpu.VMEM((_NCH, _K), jnp.int32),
            pltpu.VMEM((_NPAD,), jnp.float32),
        ],
    )
    def _deg_kernel(dst_hbm, deg_hbm, didx, degloc):
        cid = lax.axis_index("c")
        sid = lax.axis_index("s")
        wid = cid * _NS + sid
        pltpu.sync_copy(dst_hbm.at[wid], didx)

        zeros16 = jnp.zeros((16,), jnp.float32)

        @pl.loop(0, _NPAD // 16)
        def _(i):
            degloc[pl.ds(i * 16, 16)] = zeros16

        ones16 = jnp.ones((16,), jnp.float32)

        @pl.loop(0, _NCH)
        def _(c):
            for j in range(_K // 16):
                idx = didx[c, pl.ds(j * 16, 16)]
                plsc.addupdate_scatter(degloc, [idx], ones16)

        for b in range(_N // _BN):
            pltpu.sync_copy(degloc.at[pl.ds(b * _BN, _BN)], deg_hbm.at[b, wid])

    return _deg_kernel


@functools.cache
def _make_msg_kernel(width, stage_table, dtype=jnp.float32):

    scratch = [
        pltpu.VMEM((_NCH, _K), jnp.int32),
        pltpu.VMEM((_NCH, _K), jnp.int32),
        pltpu.VMEM((_K, width), dtype),
        pltpu.VMEM((_K, width), dtype),
        pltpu.VMEM_SHARED((_NPAD, width), dtype),
        pltpu.SemaphoreType.DMA,
        pltpu.SemaphoreType.DMA,
    ]
    if stage_table:
        scratch.append(pltpu.VMEM_SHARED((_N, width), dtype))

    @functools.partial(
        pl.kernel,
        out_type=jax.ShapeDtypeStruct((_NC, _N, width), dtype),
        mesh=_vector_mesh(),
        compiler_params=_sc_compiler_params(),
        scratch_types=scratch,
    )
    def _msg(g_hbm, src_hbm, dst_hbm, zeros_hbm, out_hbm,
             sidx, didx, rows_a, rows_b, acc, sem_a, sem_b, *maybe_tab):
        cid = lax.axis_index("c")
        sid = lax.axis_index("s")
        wid = cid * _NS + sid
        pltpu.sync_copy(src_hbm.at[wid], sidx)
        pltpu.sync_copy(dst_hbm.at[wid], didx)
        pltpu.sync_copy(zeros_hbm, acc.at[pl.ds(sid * _ZPT, _ZPT)])
        if stage_table:
            gtab = maybe_tab[0]
            pltpu.sync_copy(g_hbm.at[pl.ds(sid * _RPT, _RPT)],
                            gtab.at[pl.ds(sid * _RPT, _RPT)])
            g_src = gtab
        else:
            g_src = g_hbm
        plsc.subcore_barrier()

        def gather_start(c, buf, sem):
            pltpu.async_copy(g_src.at[sidx.at[c]], buf, sem)

        def gather_wait(c, buf, sem):
            pltpu.make_async_copy(g_src.at[sidx.at[c]], buf, sem).wait()

        def scatter(c, buf):
            pltpu.sync_copy(buf, acc.at[didx.at[c]], add=True)

        gather_start(0, rows_a, sem_a)

        @pl.loop(0, (_NCH - 1) // 2)
        def _(i):
            c0 = 2 * i
            gather_wait(c0, rows_a, sem_a)
            gather_start(c0 + 1, rows_b, sem_b)
            scatter(c0, rows_a)
            gather_wait(c0 + 1, rows_b, sem_b)
            gather_start(c0 + 2, rows_a, sem_a)
            scatter(c0 + 1, rows_b)

        gather_wait(_NCH - 1, rows_a, sem_a)
        scatter(_NCH - 1, rows_a)

        plsc.subcore_barrier()
        pltpu.sync_copy(
            acc.at[pl.ds(sid * _RPT, _RPT)],
            out_hbm.at[cid, pl.ds(sid * _RPT, _RPT)],
        )

    return _msg



def _dinv_of(degp_ref):
    deg = jnp.sum(degp_ref[0], axis=0) + 1.0
    return lax.rsqrt(deg)


def _prep1_body(x_ref, w1_ref, degp_ref, g1_ref):
    dinv = _dinv_of(degp_ref)
    h = jnp.dot(x_ref[...], w1_ref[...], preferred_element_type=jnp.float32)
    g1_ref[...] = (h * dinv[:, None]).astype(g1_ref.dtype)


def _prep1(x, w1, degp):
    return pl.pallas_call(
        _prep1_body,
        grid=(_N // _BN,),
        in_specs=[
            pl.BlockSpec((_BN, _F), lambda i: (i, 0)),
            pl.BlockSpec((_F, _H), lambda i: (0, 0)),
            pl.BlockSpec((1, _NW, _BN), lambda i: (i, 0, 0)),
        ],
        out_specs=pl.BlockSpec((_BN, _H), lambda i: (i, 0)),
        out_shape=jax.ShapeDtypeStruct((_N, _H), jnp.float32),
    )(x, w1, degp)


def _mid_body(acc_ref, g1_ref, degp_ref, b1_ref, w2p_ref, g2_ref):
    dinv = _dinv_of(degp_ref)
    s32 = (acc_ref[0].astype(jnp.float32) + acc_ref[1].astype(jnp.float32)
           + g1_ref[...].astype(jnp.float32))
    z = s32 * dinv[:, None] + b1_ref[...]
    h2 = jnp.maximum(z, 0.0)
    g2 = jnp.dot(h2, w2p_ref[...], preferred_element_type=jnp.float32)
    g2_ref[...] = (g2 * dinv[:, None]).astype(g2_ref.dtype)


def _mid(acc1, g1, degp, b1r, w2p):
    return pl.pallas_call(
        _mid_body,
        grid=(_N // _BN,),
        in_specs=[
            pl.BlockSpec((_NC, _BN, _H), lambda i: (0, i, 0)),
            pl.BlockSpec((_BN, _H), lambda i: (i, 0)),
            pl.BlockSpec((1, _NW, _BN), lambda i: (i, 0, 0)),
            pl.BlockSpec((1, _H), lambda i: (0, 0)),
            pl.BlockSpec((_H, _CPAD), lambda i: (0, 0)),
        ],
        out_specs=pl.BlockSpec((_BN, _CPAD), lambda i: (i, 0)),
        out_shape=jax.ShapeDtypeStruct((_N, _CPAD), jnp.float32),
    )(acc1, g1, degp, b1r, w2p)


def _fin_body(acc_ref, g2_ref, degp_ref, b2_ref, out_ref):
    dinv = _dinv_of(degp_ref)
    s32 = (acc_ref[0].astype(jnp.float32) + acc_ref[1].astype(jnp.float32)
           + g2_ref[...].astype(jnp.float32))
    z = s32 * dinv[:, None] + b2_ref[...]
    col = lax.broadcasted_iota(jnp.int32, (_BN, _CPAD), 1)
    zm = jnp.where(col < _C, z, -1e30)
    m = jnp.max(zm, axis=1, keepdims=True)
    lse = jnp.log(jnp.sum(jnp.exp(zm - m), axis=1, keepdims=True)) + m
    out_ref[...] = (zm - lse)[:, :_C]


def _fin(acc2, g2, degp, b2p):
    return pl.pallas_call(
        _fin_body,
        grid=(_N // _BN,),
        in_specs=[
            pl.BlockSpec((_NC, _BN, _CPAD), lambda i: (0, i, 0)),
            pl.BlockSpec((_BN, _CPAD), lambda i: (i, 0)),
            pl.BlockSpec((1, _NW, _BN), lambda i: (i, 0, 0)),
            pl.BlockSpec((1, _CPAD), lambda i: (0, 0)),
        ],
        out_specs=pl.BlockSpec((_BN, _C), lambda i: (i, 0)),
        out_shape=jax.ShapeDtypeStruct((_N, _C), jnp.float32),
    )(acc2, g2, degp, b2p)



def kernel(x, edge_index, W1, b1, W2, b2):
    pad = _EPAD - _EPT
    src3 = jnp.pad(edge_index[0].reshape(_NW, _EPT),
                   ((0, 0), (0, pad))).reshape(_NW, _NCH, _K)
    dst3 = jnp.pad(edge_index[1].reshape(_NW, _EPT),
                   ((0, 0), (0, pad)),
                   constant_values=_N).reshape(_NW, _NCH, _K)
    zeros_h = jnp.zeros((_ZPT, _H), jnp.float32)
    zeros_c = jnp.zeros((_ZPT, _CPAD), jnp.float32)
    b1r = b1.reshape(1, _H)
    w2p = jnp.zeros((_H, _CPAD), jnp.float32).at[:, :_C].set(W2)
    b2p = jnp.zeros((1, _CPAD), jnp.float32).at[0, :_C].set(b2)

    degp = _make_deg_kernel()(dst3)
    g1 = _prep1(x, W1, degp)
    acc1 = _make_msg_kernel(_H, False)(g1, src3, dst3, zeros_h)
    g2 = _mid(acc1, g1, degp, b1r, w2p)
    acc2 = _make_msg_kernel(_CPAD, True)(g2, src3, dst3, zeros_c)
    return _fin(acc2, g2, degp, b2p)

# --- scband reference (transcript-rebuilt; emitter-appended) ---
"""Pipeline reference for scband-gcn-5995774345732 (READ-ONLY COPY).

The authoritative reference and input builder live on the scoring server;
editing this copy changes nothing except your own understanding.
"""

import jax, jax.numpy as jnp
import numpy as np

N = 10000
E = 320000
F_IN = 128
H = 128
C = 40

def _glorot(key, fan_in, fan_out):
    lim = float(np.sqrt(6.0 / (fan_in + fan_out)))
    return jax.random.uniform(key, (fan_in, fan_out), dtype=jnp.float32, minval=-lim, maxval=lim)

def setup_inputs(seed: int = 0) -> dict:
    key = jax.random.key(seed)
    k1, k2, k3, k4 = jax.random.split(key, 4)
    x = jax.random.normal(k1, (N, F_IN), dtype=jnp.float32)
    edge_index = jax.random.randint(k2, (2, E), 0, N, dtype=jnp.int32)
    W1 = _glorot(k3, F_IN, H)
    b1 = jnp.zeros((H,), dtype=jnp.float32)
    W2 = _glorot(k4, H, C)
    b2 = jnp.zeros((C,), dtype=jnp.float32)
    return {"x": x, "edge_index": edge_index, "W1": W1, "b1": b1, "W2": W2, "b2": b2}

def _gcn_conv(x, src, dst, W, b):
    n = x.shape[0]
    # GCNConv with self-loops and symmetric normalization D^{-1/2} A D^{-1/2}
    loop = jnp.arange(n, dtype=src.dtype)
    s = jnp.concatenate([src, loop])
    d = jnp.concatenate([dst, loop])
    deg = jnp.zeros((n,), dtype=x.dtype).at[d].add(1.0)
    dinv = jnp.where(deg > 0, deg ** -0.5, 0.0)
    norm = dinv[s] * dinv[d]
    h = x @ W
    msg = h[s] * norm[:, None]
    out = jnp.zeros((n, h.shape[1]), dtype=x.dtype).at[d].add(msg)
    return out + b

def reference(x, edge_index, W1, b1, W2, b2):
    src = edge_index[0]
    dst = edge_index[1]
    h = _gcn_conv(x, src, dst, W1, b1)
    h = jax.nn.relu(h)
    # dropout p=0.5 is identity in eval mode (training=False)
    h = _gcn_conv(h, src, dst, W2, b2)
    return jax.nn.log_softmax(h, axis=1)

if __name__ == "__main__":
    import jax
    _d = setup_inputs()
    print(jax.jit(kernel)(*tuple(_d.values())))

</pallas_src>

<mosaic_0001>
#map = affine_map<(d0, d1) -> (0, 0)>
#map1 = affine_map<(d0, d1) -> (0, 0, 0)>
module attributes {stable_mosaic.version = 14 : i64} {
  func.func @_msg(%arg0: i32, %arg1: i32, %arg2: memref<10000x128xf32, #tpu.memory_space<hbm>>, %arg3: memref<32x125x80xi32, #tpu.memory_space<hbm>>, %arg4: memref<32x125x80xi32, #tpu.memory_space<hbm>>, %arg5: memref<625x128xf32, #tpu.memory_space<hbm>>, %arg6: memref<2x10000x128xf32, #tpu.memory_space<hbm>>, %arg7: memref<125x80xi32, #tpu.memory_space<vmem>>, %arg8: memref<125x80xi32, #tpu.memory_space<vmem>>, %arg9: memref<80x128xf32, #tpu.memory_space<vmem>>, %arg10: memref<80x128xf32, #tpu.memory_space<vmem>>, %arg11: memref<10000x128xf32, #tpu.memory_space<vmem_shared>>, %arg12: memref<!tpu.dma_semaphore, #tpu.memory_space<semaphore_mem>>, %arg13: memref<!tpu.dma_semaphore, #tpu.memory_space<semaphore_mem>>) attributes {dimension_semantics = [#tpu.dimension_semantics<core_parallel>, #tpu.dimension_semantics<subcore_parallel>], iteration_bounds = array<i64: 2, 16>, scalar_prefetch = 0 : i64, scratch_operands = 7 : i64, tpu.core_type = #tpu.core_type<sc_vector_subcore>, window_params = [{transform_indices = #map}, {transform_indices = #map1}, {transform_indices = #map1}, {transform_indices = #map}, {transform_indices = #map1}]} {
    %mul3A = arith.constant 16 : i32
    %mul3A_0 = arith.muli %arg0, %mul3A : i32
    %add3A = arith.addi %mul3A_0, %arg1 : i32
    "tpu.region"() ({
      %run_scoped3A_24 = tpu.sem_alloc : memref<!tpu.dma_semaphore, #tpu.memory_space<semaphore_mem>>
      %dma_start3A_25 = arith.constant 0 : i32
      %dma_start3A_26 = arith.constant 0 : i32
      %dma_start3A_27 = tpu.memref_slice %arg3[%add3A, %dma_start3A_25, %dma_start3A_26] : memref<32x125x80xi32, #tpu.memory_space<hbm>> -> memref<1x125x80xi32, #tpu.memory_space<hbm>>
      %dma_start3A_28 = tpu.memref_squeeze %dma_start3A_27 : memref<1x125x80xi32, #tpu.memory_space<hbm>> -> memref<125x80xi32, #tpu.memory_space<hbm>>
      %dma_start3A_29 = arith.constant 0 : i32
      %dma_start3A_30 = arith.constant 0 : i32
      %dma_start3A_31 = tpu.memref_slice %arg3[%add3A, %dma_start3A_29, %dma_start3A_30] : memref<32x125x80xi32, #tpu.memory_space<hbm>> -> memref<1x125x80xi32, #tpu.memory_space<hbm>>
      %dma_start3A_32 = tpu.memref_squeeze %dma_start3A_31 : memref<1x125x80xi32, #tpu.memory_space<hbm>> -> memref<125x80xi32, #tpu.memory_space<hbm>>
      tpu.enqueue_dma source(%dma_start3A_32 : memref<125x80xi32, #tpu.memory_space<hbm>>) target(%arg7 : memref<125x80xi32, #tpu.memory_space<vmem>>) target_semaphore(%run_scoped3A_24 : memref<!tpu.dma_semaphore, #tpu.memory_space<semaphore_mem>>)
      %dma_wait3A_33 = arith.constant 0 : i32
      %dma_wait3A_34 = arith.constant 0 : i32
      %dma_wait3A_35 = tpu.memref_slice %arg3[%add3A, %dma_wait3A_33, %dma_wait3A_34] : memref<32x125x80xi32, #tpu.memory_space<hbm>> -> memref<1x125x80xi32, #tpu.memory_space<hbm>>
      %dma_wait3A_36 = tpu.memref_squeeze %dma_wait3A_35 : memref<1x125x80xi32, #tpu.memory_space<hbm>> -> memref<125x80xi32, #tpu.memory_space<hbm>>
      %dma_wait3A_37 = arith.constant 0 : i32
      %dma_wait3A_38 = arith.constant 0 : i32
      %dma_wait3A_39 = tpu.memref_slice %arg3[%add3A, %dma_wait3A_37, %dma_wait3A_38] : memref<32x125x80xi32, #tpu.memory_space<hbm>> -> memref<1x125x80xi32, #tpu.memory_space<hbm>>
      %dma_wait3A_40 = tpu.memref_squeeze %dma_wait3A_39 : memref<1x125x80xi32, #tpu.memory_space<hbm>> -> memref<125x80xi32, #tpu.memory_space<hbm>>
      tpu.wait_dma2 semaphore(%run_scoped3A_24 : memref<!tpu.dma_semaphore, #tpu.memory_space<semaphore_mem>>) src(%dma_wait3A_40 : memref<125x80xi32, #tpu.memory_space<hbm>>) dst(%arg7 : memref<125x80xi32, #tpu.memory_space<vmem>>)
      tpu.yield
    }) : () -> ()
    "tpu.region"() ({
      %run_scoped3A_24 = tpu.sem_alloc : memref<!tpu.dma_semaphore, #tpu.memory_space<semaphore_mem>>
      %dma_start3A_25 = arith.constant 0 : i32
      %dma_start3A_26 = arith.constant 0 : i32
      %dma_start3A_27 = tpu.memref_slice %arg4[%add3A, %dma_start3A_25, %dma_start3A_26] : memref<32x125x80xi32, #tpu.memory_space<hbm>> -> memref<1x125x80xi32, #tpu.memory_space<hbm>>
      %dma_start3A_28 = tpu.memref_squeeze %dma_start3A_27 : memref<1x125x80xi32, #tpu.memory_space<hbm>> -> memref<125x80xi32, #tpu.memory_space<hbm>>
      %dma_start3A_29 = arith.constant 0 : i32
      %dma_start3A_30 = arith.constant 0 : i32
      %dma_start3A_31 = tpu.memref_slice %arg4[%add3A, %dma_start3A_29, %dma_start3A_30] : memref<32x125x80xi32, #tpu.memory_space<hbm>> -> memref<1x125x80xi32, #tpu.memory_space<hbm>>
      %dma_start3A_32 = tpu.memref_squeeze %dma_start3A_31 : memref<1x125x80xi32, #tpu.memory_space<hbm>> -> memref<125x80xi32, #tpu.memory_space<hbm>>
      tpu.enqueue_dma source(%dma_start3A_32 : memref<125x80xi32, #tpu.memory_space<hbm>>) target(%arg8 : memref<125x80xi32, #tpu.memory_space<vmem>>) target_semaphore(%run_scoped3A_24 : memref<!tpu.dma_semaphore, #tpu.memory_space<semaphore_mem>>)
      %dma_wait3A_33 = arith.constant 0 : i32
      %dma_wait3A_34 = arith.constant 0 : i32
      %dma_wait3A_35 = tpu.memref_slice %arg4[%add3A, %dma_wait3A_33, %dma_wait3A_34] : memref<32x125x80xi32, #tpu.memory_space<hbm>> -> memref<1x125x80xi32, #tpu.memory_space<hbm>>
      %dma_wait3A_36 = tpu.memref_squeeze %dma_wait3A_35 : memref<1x125x80xi32, #tpu.memory_space<hbm>> -> memref<125x80xi32, #tpu.memory_space<hbm>>
      %dma_wait3A_37 = arith.constant 0 : i32
      %dma_wait3A_38 = arith.constant 0 : i32
      %dma_wait3A_39 = tpu.memref_slice %arg4[%add3A, %dma_wait3A_37, %dma_wait3A_38] : memref<32x125x80xi32, #tpu.memory_space<hbm>> -> memref<1x125x80xi32, #tpu.memory_space<hbm>>
      %dma_wait3A_40 = tpu.memref_squeeze %dma_wait3A_39 : memref<1x125x80xi32, #tpu.memory_space<hbm>> -> memref<125x80xi32, #tpu.memory_space<hbm>>
      tpu.wait_dma2 semaphore(%run_scoped3A_24 : memref<!tpu.dma_semaphore, #tpu.memory_space<semaphore_mem>>) src(%dma_wait3A_40 : memref<125x80xi32, #tpu.memory_space<hbm>>) dst(%arg8 : memref<125x80xi32, #tpu.memory_space<vmem>>)
      tpu.yield
    }) : () -> ()
    %mul3A_1 = arith.constant 625 : i32
    %mul3A_2 = arith.muli %arg1, %mul3A_1 : i32
    "tpu.region"() ({
      %run_scoped3A_24 = tpu.sem_alloc : memref<!tpu.dma_semaphore, #tpu.memory_space<semaphore_mem>>
      %dma_start3A_25 = arith.constant 0 : i32
      %dma_start3A_26 = tpu.memref_slice %arg11[%mul3A_2, %dma_start3A_25] : memref<10000x128xf32, #tpu.memory_space<vmem_shared>> -> memref<625x128xf32, #tpu.memory_space<vmem_shared>>
      tpu.enqueue_dma source(%arg5 : memref<625x128xf32, #tpu.memory_space<hbm>>) target(%dma_start3A_26 : memref<625x128xf32, #tpu.memory_space<vmem_shared>>) target_semaphore(%run_scoped3A_24 : memref<!tpu.dma_semaphore, #tpu.memory_space<semaphore_mem>>)
      %dma_wait3A_27 = arith.constant 0 : i32
      %dma_wait3A_28 = tpu.memref_slice %arg11[%mul3A_2, %dma_wait3A_27] : memref<10000x128xf32, #tpu.memory_space<vmem_shared>> -> memref<625x128xf32, #tpu.memory_space<vmem_shared>>
      tpu.wait_dma2 semaphore(%run_scoped3A_24 : memref<!tpu.dma_semaphore, #tpu.memory_space<semaphore_mem>>) src(%arg5 : memref<625x128xf32, #tpu.memory_space<hbm>>) dst(%dma_wait3A_28 : memref<625x128xf32, #tpu.memory_space<vmem_shared>>)
      tpu.yield
    }) : () -> ()
    %barrier3A = arith.constant 0 : index
    tpu.barrier barrier_id(%barrier3A)
    %dma_start3A = arith.constant 0 : i32
    %dma_start3A_3 = arith.constant 0 : i32
    %dma_start3A_4 = tpu.memref_slice %arg7[%dma_start3A, %dma_start3A_3] : memref<125x80xi32, #tpu.memory_space<vmem>> -> memref<1x80xi32, #tpu.memory_space<vmem>>
    %dma_start3A_5 = tpu.memref_squeeze %dma_start3A_4 : memref<1x80xi32, #tpu.memory_space<vmem>> -> memref<80xi32, #tpu.memory_space<vmem>>
    %dma_start3A_6 = arith.constant 0 : i32
    %dma_start3A_7 = arith.constant 0 : i32
    %dma_start3A_8 = tpu.memref_slice %arg2[%dma_start3A_6, %dma_start3A_7] : memref<10000x128xf32, #tpu.memory_space<hbm>> -> memref<10000x128xf32, #tpu.memory_space<hbm>>
    tpu.enqueue_indirect_dma source(%dma_start3A_8 : memref<10000x128xf32, #tpu.memory_space<hbm>>) target(%arg9 : memref<80x128xf32, #tpu.memory_space<vmem>>) offsets(%dma_start3A_5 : memref<80xi32, #tpu.memory_space<vmem>>) semaphore(%arg12 : memref<!tpu.dma_semaphore, #tpu.memory_space<semaphore_mem>>)
    %scan3A = arith.constant 0 : i32
    %scan3A_9 = arith.constant 62 : i32
    %scan3A_10 = arith.addi %scan3A, %scan3A_9 : i32
    %scan3A_11 = arith.constant 1 : i32
    scf.for %scan3A_24 = %scan3A to %scan3A_10 step %scan3A_11  : i32 {
      %mul3A_25 = arith.constant 1 : i32
      %mul3A_26 = arith.muli %scan3A_24, %mul3A_25 : i32
      %add3A_27 = arith.constant 0 : i32
      %add3A_28 = arith.addi %add3A_27, %mul3A_26 : i32
      %mul3A_29 = arith.constant 2 : i32
      %mul3A_30 = arith.muli %mul3A_29, %add3A_28 : i32
      %dma_wait3A_31 = arith.constant 0 : i32
      %dma_wait3A_32 = tpu.memref_slice %arg7[%mul3A_30, %dma_wait3A_31] : memref<125x80xi32, #tpu.memory_space<vmem>> -> memref<1x80xi32, #tpu.memory_space<vmem>>
      %dma_wait3A_33 = tpu.memref_squeeze %dma_wait3A_32 : memref<1x80xi32, #tpu.memory_space<vmem>> -> memref<80xi32, #tpu.memory_space<vmem>>
      %dma_wait3A_34 = arith.constant 0 : i32
      %dma_wait3A_35 = arith.constant 0 : i32
      %dma_wait3A_36 = tpu.memref_slice %arg2[%dma_wait3A_34, %dma_wait3A_35] : memref<10000x128xf32, #tpu.memory_space<hbm>> -> memref<10000x128xf32, #tpu.memory_space<hbm>>
      tpu.wait_indirect_dma semaphore(%arg12 : memref<!tpu.dma_semaphore, #tpu.memory_space<semaphore_mem>>) src(%dma_wait3A_36 : memref<10000x128xf32, #tpu.memory_space<hbm>>) dst(%arg9 : memref<80x128xf32, #tpu.memory_space<vmem>>)
      %add3A_37 = arith.constant 1 : i32
      %add3A_38 = arith.addi %mul3A_30, %add3A_37 : i32
      %dma_start3A_39 = arith.constant 0 : i32
      %dma_start3A_40 = tpu.memref_slice %arg7[%add3A_38, %dma_start3A_39] : memref<125x80xi32, #tpu.memory_space<vmem>> -> memref<1x80xi32, #tpu.memory_space<vmem>>
      %dma_start3A_41 = tpu.memref_squeeze %dma_start3A_40 : memref<1x80xi32, #tpu.memory_space<vmem>> -> memref<80xi32, #tpu.memory_space<vmem>>
      %dma_start3A_42 = arith.constant 0 : i32
      %dma_start3A_43 = arith.constant 0 : i32
      %dma_start3A_44 = tpu.memref_slice %arg2[%dma_start3A_42, %dma_start3A_43] : memref<10000x128xf32, #tpu.memory_space<hbm>> -> memref<10000x128xf32, #tpu.memory_space<hbm>>
      tpu.enqueue_indirect_dma source(%dma_start3A_44 : memref<10000x128xf32, #tpu.memory_space<hbm>>) target(%arg10 : memref<80x128xf32, #tpu.memory_space<vmem>>) offsets(%dma_start3A_41 : memref<80xi32, #tpu.memory_space<vmem>>) semaphore(%arg13 : memref<!tpu.dma_semaphore, #tpu.memory_space<semaphore_mem>>)
      "tpu.region"() ({
        %run_scoped3A_63 = tpu.sem_alloc : memref<!tpu.dma_semaphore, #tpu.memory_space<semaphore_mem>>
        %dma_start3A_64 = arith.constant 0 : i32
        %dma_start3A_65 = tpu.memref_slice %arg8[%mul3A_30, %dma_start3A_64] : memref<125x80xi32, #tpu.memory_space<vmem>> -> memref<1x80xi32, #tpu.memory_space<vmem>>
        %dma_start3A_66 = tpu.memref_squeeze %dma_start3A_65 : memref<1x80xi32, #tpu.memory_space<vmem>> -> memref<80xi32, #tpu.memory_space<vmem>>
        %dma_start3A_67 = arith.constant 0 : i32
        %dma_start3A_68 = arith.constant 0 : i32
        %dma_start3A_69 = tpu.memref_slice %arg11[%dma_start3A_67, %dma_start3A_68] : memref<10000x128xf32, #tpu.memory_space<vmem_shared>> -> memref<10000x128xf32, #tpu.memory_space<vmem_shared>>
        tpu.enqueue_indirect_dma source(%arg9 : memref<80x128xf32, #tpu.memory_space<vmem>>) target(%dma_start3A_69 : memref<10000x128xf32, #tpu.memory_space<vmem_shared>>) offsets(%dma_start3A_66 : memref<80xi32, #tpu.memory_space<vmem>>) semaphore(%run_scoped3A_63 : memref<!tpu.dma_semaphore, #tpu.memory_space<semaphore_mem>>) {add = true}
        %dma_wait3A_70 = arith.constant 0 : i32
        %dma_wait3A_71 = tpu.memref_slice %arg8[%mul3A_30, %dma_wait3A_70] : memref<125x80xi32, #tpu.memory_space<vmem>> -> memref<1x80xi32, #tpu.memory_space<vmem>>
        %dma_wait3A_72 = tpu.memref_squeeze %dma_wait3A_71 : memref<1x80xi32, #tpu.memory_space<vmem>> -> memref<80xi32, #tpu.memory_space<vmem>>
        %dma_wait3A_73 = arith.constant 0 : i32
        %dma_wait3A_74 = arith.constant 0 : i32
        %dma_wait3A_75 = tpu.memref_slice %arg11[%dma_wait3A_73, %dma_wait3A_74] : memref<10000x128xf32, #tpu.memory_space<vmem_shared>> -> memref<10000x128xf32, #tpu.memory_space<vmem_shared>>
        tpu.wait_indirect_dma semaphore(%run_scoped3A_63 : memref<!tpu.dma_semaphore, #tpu.memory_space<semaphore_mem>>) src(%arg9 : memref<80x128xf32, #tpu.memory_space<vmem>>) dst(%dma_wait3A_75 : memref<10000x128xf32, #tpu.memory_space<vmem_shared>>)
        tpu.yield
      }) : () -> ()
      %add3A_45 = arith.constant 1 : i32
      %add3A_46 = arith.addi %mul3A_30, %add3A_45 : i32
      %dma_wait3A_47 = arith.constant 0 : i32
      %dma_wait3A_48 = tpu.memref_slice %arg7[%add3A_46, %dma_wait3A_47] : memref<125x80xi32, #tpu.memory_space<vmem>> -> memref<1x80xi32, #tpu.memory_space<vmem>>
      %dma_wait3A_49 = tpu.memref_squeeze %dma_wait3A_48 : memref<1x80xi32, #tpu.memory_space<vmem>> -> memref<80xi32, #tpu.memory_space<vmem>>
      %dma_wait3A_50 = arith.constant 0 : i32
      %dma_wait3A_51 = arith.constant 0 : i32
      %dma_wait3A_52 = tpu.memref_slice %arg2[%dma_wait3A_50, %dma_wait3A_51] : memref<10000x128xf32, #tpu.memory_space<hbm>> -> memref<10000x128xf32, #tpu.memory_space<hbm>>
      tpu.wait_indirect_dma semaphore(%arg13 : memref<!tpu.dma_semaphore, #tpu.memory_space<semaphore_mem>>) src(%dma_wait3A_52 : memref<10000x128xf32, #tpu.memory_space<hbm>>) dst(%arg10 : memref<80x128xf32, #tpu.memory_space<vmem>>)
      %add3A_53 = arith.constant 2 : i32
      %add3A_54 = arith.addi %mul3A_30, %add3A_53 : i32
      %dma_start3A_55 = arith.constant 0 : i32
      %dma_start3A_56 = tpu.memref_slice %arg7[%add3A_54, %dma_start3A_55] : memref<125x80xi32, #tpu.memory_space<vmem>> -> memref<1x80xi32, #tpu.memory_space<vmem>>
      %dma_start3A_57 = tpu.memref_squeeze %dma_start3A_56 : memref<1x80xi32, #tpu.memory_space<vmem>> -> memref<80xi32, #tpu.memory_space<vmem>>
      %dma_start3A_58 = arith.constant 0 : i32
      %dma_start3A_59 = arith.constant 0 : i32
      %dma_start3A_60 = tpu.memref_slice %arg2[%dma_start3A_58, %dma_start3A_59] : memref<10000x128xf32, #tpu.memory_space<hbm>> -> memref<10000x128xf32, #tpu.memory_space<hbm>>
      tpu.enqueue_indirect_dma source(%dma_start3A_60 : memref<10000x128xf32, #tpu.memory_space<hbm>>) target(%arg9 : memref<80x128xf32, #tpu.memory_space<vmem>>) offsets(%dma_start3A_57 : memref<80xi32, #tpu.memory_space<vmem>>) semaphore(%arg12 : memref<!tpu.dma_semaphore, #tpu.memory_space<semaphore_mem>>)
      %add3A_61 = arith.constant 1 : i32
      %add3A_62 = arith.addi %mul3A_30, %add3A_61 : i32
      "tpu.region"() ({
        %run_scoped3A_63 = tpu.sem_alloc : memref<!tpu.dma_semaphore, #tpu.memory_space<semaphore_mem>>
        %dma_start3A_64 = arith.constant 0 : i32
        %dma_start3A_65 = tpu.memref_slice %arg8[%add3A_62, %dma_start3A_64] : memref<125x80xi32, #tpu.memory_space<vmem>> -> memref<1x80xi32, #tpu.memory_space<vmem>>
        %dma_start3A_66 = tpu.memref_squeeze %dma_start3A_65 : memref<1x80xi32, #tpu.memory_space<vmem>> -> memref<80xi32, #tpu.memory_space<vmem>>
        %dma_start3A_67 = arith.constant 0 : i32
        %dma_start3A_68 = arith.constant 0 : i32
        %dma_start3A_69 = tpu.memref_slice %arg11[%dma_start3A_67, %dma_start3A_68] : memref<10000x128xf32, #tpu.memory_space<vmem_shared>> -> memref<10000x128xf32, #tpu.memory_space<vmem_shared>>
        tpu.enqueue_indirect_dma source(%arg10 : memref<80x128xf32, #tpu.memory_space<vmem>>) target(%dma_start3A_69 : memref<10000x128xf32, #tpu.memory_space<vmem_shared>>) offsets(%dma_start3A_66 : memref<80xi32, #tpu.memory_space<vmem>>) semaphore(%run_scoped3A_63 : memref<!tpu.dma_semaphore, #tpu.memory_space<semaphore_mem>>) {add = true}
        %dma_wait3A_70 = arith.constant 0 : i32
        %dma_wait3A_71 = tpu.memref_slice %arg8[%add3A_62, %dma_wait3A_70] : memref<125x80xi32, #tpu.memory_space<vmem>> -> memref<1x80xi32, #tpu.memory_space<vmem>>
        %dma_wait3A_72 = tpu.memref_squeeze %dma_wait3A_71 : memref<1x80xi32, #tpu.memory_space<vmem>> -> memref<80xi32, #tpu.memory_space<vmem>>
        %dma_wait3A_73 = arith.constant 0 : i32
        %dma_wait3A_74 = arith.constant 0 : i32
        %dma_wait3A_75 = tpu.memref_slice %arg11[%dma_wait3A_73, %dma_wait3A_74] : memref<10000x128xf32, #tpu.memory_space<vmem_shared>> -> memref<10000x128xf32, #tpu.memory_space<vmem_shared>>
        tpu.wait_indirect_dma semaphore(%run_scoped3A_63 : memref<!tpu.dma_semaphore, #tpu.memory_space<semaphore_mem>>) src(%arg10 : memref<80x128xf32, #tpu.memory_space<vmem>>) dst(%dma_wait3A_75 : memref<10000x128xf32, #tpu.memory_space<vmem_shared>>)
        tpu.yield
      }) : () -> ()
    }
    %scan3A_12 = arith.constant 62 : i32
    %dma_wait3A = arith.constant 124 : i32
    %dma_wait3A_13 = arith.constant 0 : i32
    %dma_wait3A_14 = tpu.memref_slice %arg7[%dma_wait3A, %dma_wait3A_13] : memref<125x80xi32, #tpu.memory_space<vmem>> -> memref<1x80xi32, #tpu.memory_space<vmem>>
    %dma_wait3A_15 = tpu.memref_squeeze %dma_wait3A_14 : memref<1x80xi32, #tpu.memory_space<vmem>> -> memref<80xi32, #tpu.memory_space<vmem>>
    %dma_wait3A_16 = arith.constant 0 : i32
    %dma_wait3A_17 = arith.constant 0 : i32
    %dma_wait3A_18 = tpu.memref_slice %arg2[%dma_wait3A_16, %dma_wait3A_17] : memref<10000x128xf32, #tpu.memory_space<hbm>> -> memref<10000x128xf32, #tpu.memory_space<hbm>>
    tpu.wait_indirect_dma semaphore(%arg12 : memref<!tpu.dma_semaphore, #tpu.memory_space<semaphore_mem>>) src(%dma_wait3A_18 : memref<10000x128xf32, #tpu.memory_space<hbm>>) dst(%arg9 : memref<80x128xf32, #tpu.memory_space<vmem>>)
    %run_scoped3A = arith.constant 124 : i32
    "tpu.region"() ({
      %run_scoped3A_24 = tpu.sem_alloc : memref<!tpu.dma_semaphore, #tpu.memory_space<semaphore_mem>>
      %dma_start3A_25 = arith.constant 0 : i32
      %dma_start3A_26 = tpu.memref_slice %arg8[%run_scoped3A, %dma_start3A_25] : memref<125x80xi32, #tpu.memory_space<vmem>> -> memref<1x80xi32, #tpu.memory_space<vmem>>
      %dma_start3A_27 = tpu.memref_squeeze %dma_start3A_26 : memref<1x80xi32, #tpu.memory_space<vmem>> -> memref<80xi32, #tpu.memory_space<vmem>>
      %dma_start3A_28 = arith.constant 0 : i32
      %dma_start3A_29 = arith.constant 0 : i32
      %dma_start3A_30 = tpu.memref_slice %arg11[%dma_start3A_28, %dma_start3A_29] : memref<10000x128xf32, #tpu.memory_space<vmem_shared>> -> memref<10000x128xf32, #tpu.memory_space<vmem_shared>>
      tpu.enqueue_indirect_dma source(%arg9 : memref<80x128xf32, #tpu.memory_space<vmem>>) target(%dma_start3A_30 : memref<10000x128xf32, #tpu.memory_space<vmem_shared>>) offsets(%dma_start3A_27 : memref<80xi32, #tpu.memory_space<vmem>>) semaphore(%run_scoped3A_24 : memref<!tpu.dma_semaphore, #tpu.memory_space<semaphore_mem>>) {add = true}
      %dma_wait3A_31 = arith.constant 0 : i32
      %dma_wait3A_32 = tpu.memref_slice %arg8[%run_scoped3A, %dma_wait3A_31] : memref<125x80xi32, #tpu.memory_space<vmem>> -> memref<1x80xi32, #tpu.memory_space<vmem>>
      %dma_wait3A_33 = tpu.memref_squeeze %dma_wait3A_32 : memref<1x80xi32, #tpu.memory_space<vmem>> -> memref<80xi32, #tpu.memory_space<vmem>>
      %dma_wait3A_34 = arith.constant 0 : i32
      %dma_wait3A_35 = arith.constant 0 : i32
      %dma_wait3A_36 = tpu.memref_slice %arg11[%dma_wait3A_34, %dma_wait3A_35] : memref<10000x128xf32, #tpu.memory_space<vmem_shared>> -> memref<10000x128xf32, #tpu.memory_space<vmem_shared>>
      tpu.wait_indirect_dma semaphore(%run_scoped3A_24 : memref<!tpu.dma_semaphore, #tpu.memory_space<semaphore_mem>>) src(%arg9 : memref<80x128xf32, #tpu.memory_space<vmem>>) dst(%dma_wait3A_36 : memref<10000x128xf32, #tpu.memory_space<vmem_shared>>)
      tpu.yield
    }) : () -> ()
    %barrier3A_19 = arith.constant 0 : index
    tpu.barrier barrier_id(%barrier3A_19)
    %mul3A_20 = arith.constant 625 : i32
    %mul3A_21 = arith.muli %arg1, %mul3A_20 : i32
    %mul3A_22 = arith.constant 625 : i32
    %mul3A_23 = arith.muli %arg1, %mul3A_22 : i32
    "tpu.region"() ({
      %run_scoped3A_24 = tpu.sem_alloc : memref<!tpu.dma_semaphore, #tpu.memory_space<semaphore_mem>>
      %dma_start3A_25 = arith.constant 0 : i32
      %dma_start3A_26 = tpu.memref_slice %arg6[%arg0, %mul3A_23, %dma_start3A_25] : memref<2x10000x128xf32, #tpu.memory_space<hbm>> -> memref<1x625x128xf32, #tpu.memory_space<hbm>>
      %dma_start3A_27 = tpu.memref_squeeze %dma_start3A_26 : memref<1x625x128xf32, #tpu.memory_space<hbm>> -> memref<625x128xf32, #tpu.memory_space<hbm>>
      %dma_start3A_28 = arith.constant 0 : i32
      %dma_start3A_29 = tpu.memref_slice %arg11[%mul3A_21, %dma_start3A_28] : memref<10000x128xf32, #tpu.memory_space<vmem_shared>> -> memref<625x128xf32, #tpu.memory_space<vmem_shared>>
      tpu.enqueue_dma source(%dma_start3A_29 : memref<625x128xf32, #tpu.memory_space<vmem_shared>>) target(%dma_start3A_27 : memref<625x128xf32, #tpu.memory_space<hbm>>) target_semaphore(%run_scoped3A_24 : memref<!tpu.dma_semaphore, #tpu.memory_space<semaphore_mem>>)
      %dma_wait3A_30 = arith.constant 0 : i32
      %dma_wait3A_31 = tpu.memref_slice %arg6[%arg0, %mul3A_23, %dma_wait3A_30] : memref<2x10000x128xf32, #tpu.memory_space<hbm>> -> memref<1x625x128xf32, #tpu.memory_space<hbm>>
      %dma_wait3A_32 = tpu.memref_squeeze %dma_wait3A_31 : memref<1x625x128xf32, #tpu.memory_space<hbm>> -> memref<625x128xf32, #tpu.memory_space<hbm>>
      %dma_wait3A_33 = arith.constant 0 : i32
      %dma_wait3A_34 = tpu.memref_slice %arg11[%mul3A_21, %dma_wait3A_33] : memref<10000x128xf32, #tpu.memory_space<vmem_shared>> -> memref<625x128xf32, #tpu.memory_space<vmem_shared>>
      tpu.wait_dma2 semaphore(%run_scoped3A_24 : memref<!tpu.dma_semaphore, #tpu.memory_space<semaphore_mem>>) src(%dma_wait3A_34 : memref<625x128xf32, #tpu.memory_space<vmem_shared>>) dst(%dma_wait3A_32 : memref<625x128xf32, #tpu.memory_space<hbm>>)
      tpu.yield
    }) : () -> ()
    return
  }
}

#map = affine_map<(d0, d1) -> (0, 0, 0)>
module attributes {stable_mosaic.version = 14 : i64} {
  func.func @_deg_kernel(%arg0: i32, %arg1: i32, %arg2: memref<32x125x80xi32, #tpu.memory_space<hbm>>, %arg3: memref<10x32x1000xf32, #tpu.memory_space<hbm>>, %arg4: memref<125x80xi32, #tpu.memory_space<vmem>>, %arg5: memref<10000xf32, #tpu.memory_space<vmem>>) attributes {dimension_semantics = [#tpu.dimension_semantics<core_parallel>, #tpu.dimension_semantics<subcore_parallel>], iteration_bounds = array<i64: 2, 16>, scalar_prefetch = 0 : i64, scratch_operands = 2 : i64, tpu.core_type = #tpu.core_type<sc_vector_subcore>, window_params = [{transform_indices = #map}, {transform_indices = #map}]} {
    %mul3A = arith.constant 16 : i32
    %mul3A_0 = arith.muli %arg0, %mul3A : i32
    %add3A = arith.addi %mul3A_0, %arg1 : i32
    "tpu.region"() ({
      %run_scoped3A_22 = tpu.sem_alloc : memref<!tpu.dma_semaphore, #tpu.memory_space<semaphore_mem>>
      %dma_start3A = arith.constant 0 : i32
      %dma_start3A_23 = arith.constant 0 : i32
      %dma_start3A_24 = tpu.memref_slice %arg2[%add3A, %dma_start3A, %dma_start3A_23] : memref<32x125x80xi32, #tpu.memory_space<hbm>> -> memref<1x125x80xi32, #tpu.memory_space<hbm>>
      %dma_start3A_25 = tpu.memref_squeeze %dma_start3A_24 : memref<1x125x80xi32, #tpu.memory_space<hbm>> -> memref<125x80xi32, #tpu.memory_space<hbm>>
      %dma_start3A_26 = arith.constant 0 : i32
      %dma_start3A_27 = arith.constant 0 : i32
      %dma_start3A_28 = tpu.memref_slice %arg2[%add3A, %dma_start3A_26, %dma_start3A_27] : memref<32x125x80xi32, #tpu.memory_space<hbm>> -> memref<1x125x80xi32, #tpu.memory_space<hbm>>
      %dma_start3A_29 = tpu.memref_squeeze %dma_start3A_28 : memref<1x125x80xi32, #tpu.memory_space<hbm>> -> memref<125x80xi32, #tpu.memory_space<hbm>>
      tpu.enqueue_dma source(%dma_start3A_29 : memref<125x80xi32, #tpu.memory_space<hbm>>) target(%arg4 : memref<125x80xi32, #tpu.memory_space<vmem>>) target_semaphore(%run_scoped3A_22 : memref<!tpu.dma_semaphore, #tpu.memory_space<semaphore_mem>>)
      %dma_wait3A = arith.constant 0 : i32
      %dma_wait3A_30 = arith.constant 0 : i32
      %dma_wait3A_31 = tpu.memref_slice %arg2[%add3A, %dma_wait3A, %dma_wait3A_30] : memref<32x125x80xi32, #tpu.memory_space<hbm>> -> memref<1x125x80xi32, #tpu.memory_space<hbm>>
      %dma_wait3A_32 = tpu.memref_squeeze %dma_wait3A_31 : memref<1x125x80xi32, #tpu.memory_space<hbm>> -> memref<125x80xi32, #tpu.memory_space<hbm>>
      %dma_wait3A_33 = arith.constant 0 : i32
      %dma_wait3A_34 = arith.constant 0 : i32
      %dma_wait3A_35 = tpu.memref_slice %arg2[%add3A, %dma_wait3A_33, %dma_wait3A_34] : memref<32x125x80xi32, #tpu.memory_space<hbm>> -> memref<1x125x80xi32, #tpu.memory_space<hbm>>
      %dma_wait3A_36 = tpu.memref_squeeze %dma_wait3A_35 : memref<1x125x80xi32, #tpu.memory_space<hbm>> -> memref<125x80xi32, #tpu.memory_space<hbm>>
      tpu.wait_dma2 semaphore(%run_scoped3A_22 : memref<!tpu.dma_semaphore, #tpu.memory_space<semaphore_mem>>) src(%dma_wait3A_36 : memref<125x80xi32, #tpu.memory_space<hbm>>) dst(%arg4 : memref<125x80xi32, #tpu.memory_space<vmem>>)
      tpu.yield
    }) : () -> ()
    %broadcast_in_dim3A = arith.constant 0.000000e+00 : f32
    %broadcast_in_dim3A_1 = vector.broadcast %broadcast_in_dim3A : f32 to vector<16xf32>
    %scan3A = arith.constant 0 : i32
    %scan3A_2 = arith.constant 625 : i32
    %scan3A_3 = arith.addi %scan3A, %scan3A_2 : i32
    %scan3A_4 = arith.constant 1 : i32
    scf.for %scan3A_22 = %scan3A to %scan3A_3 step %scan3A_4  : i32 {
      %mul3A_23 = arith.constant 1 : i32
      %mul3A_24 = arith.muli %scan3A_22, %mul3A_23 : i32
      %add3A_25 = arith.constant 0 : i32
      %add3A_26 = arith.addi %add3A_25, %mul3A_24 : i32
      %mul3A_27 = arith.constant 16 : i32
      %mul3A_28 = arith.muli %add3A_26, %mul3A_27 : i32
      %swap3A = arith.index_cast %mul3A_28 : i32 to index
      %swap3A_29 = tpu.vector_load %arg5[%swap3A] {strides = array<i32>} : memref<10000xf32, #tpu.memory_space<vmem>>, vector<16xf32>,
      tpu.vector_store %arg5[%swap3A], %broadcast_in_dim3A_1 {strides = array<i32>} : memref<10000xf32, #tpu.memory_space<vmem>>, vector<16xf32>,
    }
    %scan3A_5 = arith.constant 625 : i32
    %broadcast_in_dim3A_6 = arith.constant 1.000000e+00 : f32
    %broadcast_in_dim3A_7 = vector.broadcast %broadcast_in_dim3A_6 : f32 to vector<16xf32>
    %scan3A_8 = arith.constant 0 : i32
    %scan3A_9 = arith.constant 125 : i32
    %scan3A_10 = arith.addi %scan3A_8, %scan3A_9 : i32
    %scan3A_11 = arith.constant 1 : i32
    scf.for %scan3A_22 = %scan3A_8 to %scan3A_10 step %scan3A_11  : i32 {
      %mul3A_23 = arith.constant 1 : i32
      %mul3A_24 = arith.muli %scan3A_22, %mul3A_23 : i32
      %add3A_25 = arith.constant 0 : i32
      %add3A_26 = arith.addi %add3A_25, %mul3A_24 : i32
      %get3A = arith.index_cast %add3A_26 : i32 to index
      %get3A_27 = arith.constant 0 : index
      %get3A_28 = tpu.vector_load %arg4[%get3A, %get3A_27] {strides = array<i32>} : memref<125x80xi32, #tpu.memory_space<vmem>>, vector<16xi32>,
      tpu.vector_store_idx %arg5[%get3A_28], %broadcast_in_dim3A_7 {add = true} : memref<10000xf32, #tpu.memory_space<vmem>>[vector<16xi32>], vector<16xf32>,
      %get3A_29 = arith.index_cast %add3A_26 : i32 to index
      %get3A_30 = arith.constant 16 : index
      %get3A_31 = tpu.vector_load %arg4[%get3A_29, %get3A_30] {strides = array<i32>} : memref<125x80xi32, #tpu.memory_space<vmem>>, vector<16xi32>,
      tpu.vector_store_idx %arg5[%get3A_31], %broadcast_in_dim3A_7 {add = true} : memref<10000xf32, #tpu.memory_space<vmem>>[vector<16xi32>], vector<16xf32>,
      %get3A_32 = arith.index_cast %add3A_26 : i32 to index
      %get3A_33 = arith.constant 32 : index
      %get3A_34 = tpu.vector_load %arg4[%get3A_32, %get3A_33] {strides = array<i32>} : memref<125x80xi32, #tpu.memory_space<vmem>>, vector<16xi32>,
      tpu.vector_store_idx %arg5[%get3A_34], %broadcast_in_dim3A_7 {add = true} : memref<10000xf32, #tpu.memory_space<vmem>>[vector<16xi32>], vector<16xf32>,
      %get3A_35 = arith.index_cast %add3A_26 : i32 to index
      %get3A_36 = arith.constant 48 : index
      %get3A_37 = tpu.vector_load %arg4[%get3A_35, %get3A_36] {strides = array<i32>} : memref<125x80xi32, #tpu.memory_space<vmem>>, vector<16xi32>,
      tpu.vector_store_idx %arg5[%get3A_37], %broadcast_in_dim3A_7 {add = true} : memref<10000xf32, #tpu.memory_space<vmem>>[vector<16xi32>], vector<16xf32>,
      %get3A_38 = arith.index_cast %add3A_26 : i32 to index
      %get3A_39 = arith.constant 64 : index
      %get3A_40 = tpu.vector_load %arg4[%get3A_38, %get3A_39] {strides = array<i32>} : memref<125x80xi32, #tpu.memory_space<vmem>>, vector<16xi32>,
      tpu.vector_store_idx %arg5[%get3A_40], %broadcast_in_dim3A_7 {add = true} : memref<10000xf32, #tpu.memory_space<vmem>>[vector<16xi32>], vector<16xf32>,
    }
    %scan3A_12 = arith.constant 125 : i32
    %run_scoped3A = arith.constant 0 : i32
    "tpu.region"() ({
      %run_scoped3A_22 = tpu.sem_alloc : memref<!tpu.dma_semaphore, #tpu.memory_space<semaphore_mem>>
      %dma_start3A = arith.constant 0 : i32
      %dma_start3A_23 = tpu.memref_slice %arg5[%dma_start3A] : memref<10000xf32, #tpu.memory_space<vmem>> -> memref<1000xf32, #tpu.memory_space<vmem>>
      %dma_start3A_24 = arith.constant 0 : i32
      %dma_start3A_25 = tpu.memref_slice %arg3[%run_scoped3A, %add3A, %dma_start3A_24] : memref<10x32x1000xf32, #tpu.memory_space<hbm>> -> memref<1x1x1000xf32, #tpu.memory_space<hbm>>
      %dma_start3A_26 = tpu.memref_squeeze %dma_start3A_25 : memref<1x1x1000xf32, #tpu.memory_space<hbm>> -> memref<1000xf32, #tpu.memory_space<hbm>>
      %dma_start3A_27 = arith.constant 0 : i32
      %dma_start3A_28 = tpu.memref_slice %arg3[%run_scoped3A, %add3A, %dma_start3A_27] : memref<10x32x1000xf32, #tpu.memory_space<hbm>> -> memref<1x1x1000xf32, #tpu.memory_space<hbm>>
      %dma_start3A_29 = tpu.memref_squeeze %dma_start3A_28 : memref<1x1x1000xf32, #tpu.memory_space<hbm>> -> memref<1000xf32, #tpu.memory_space<hbm>>
      %dma_start3A_30 = arith.constant 0 : i32
      %dma_start3A_31 = tpu.memref_slice %arg5[%dma_start3A_30] : memref<10000xf32, #tpu.memory_space<vmem>> -> memref<1000xf32, #tpu.memory_space<vmem>>
      tpu.enqueue_dma source(%dma_start3A_31 : memref<1000xf32, #tpu.memory_space<vmem>>) target(%dma_start3A_29 : memref<1000xf32, #tpu.memory_space<hbm>>) target_semaphore(%run_scoped3A_22 : memref<!tpu.dma_semaphore, #tpu.memory_space<semaphore_mem>>)
      %dma_wait3A = arith.constant 0 : i32
      %dma_wait3A_32 = tpu.memref_slice %arg5[%dma_wait3A] : memref<10000xf32, #tpu.memory_space<vmem>> -> memref<1000xf32, #tpu.memory_space<vmem>>
      %dma_wait3A_33 = arith.constant 0 : i32
      %dma_wait3A_34 = tpu.memref_slice %arg3[%run_scoped3A, %add3A, %dma_wait3A_33] : memref<10x32x1000xf32, #tpu.memory_space<hbm>> -> memref<1x1x1000xf32, #tpu.memory_space<hbm>>
      %dma_wait3A_35 = tpu.memref_squeeze %dma_wait3A_34 : memref<1x1x1000xf32, #tpu.memory_space<hbm>> -> memref<1000xf32, #tpu.memory_space<hbm>>
      %dma_wait3A_36 = arith.constant 0 : i32
      %dma_wait3A_37 = tpu.memref_slice %arg3[%run_scoped3A, %add3A, %dma_wait3A_36] : memref<10x32x1000xf32, #tpu.memory_space<hbm>> -> memref<1x1x1000xf32, #tpu.memory_space<hbm>>
      %dma_wait3A_38 = tpu.memref_squeeze %dma_wait3A_37 : memref<1x1x1000xf32, #tpu.memory_space<hbm>> -> memref<1000xf32, #tpu.memory_space<hbm>>
      %dma_wait3A_39 = arith.constant 0 : i32
      %dma_wait3A_40 = tpu.memref_slice %arg5[%dma_wait3A_39] : memref<10000xf32, #tpu.memory_space<vmem>> -> memref<1000xf32, #tpu.memory_space<vmem>>
      tpu.wait_dma2 semaphore(%run_scoped3A_22 : memref<!tpu.dma_semaphore, #tpu.memory_space<semaphore_mem>>) src(%dma_wait3A_40 : memref<1000xf32, #tpu.memory_space<vmem>>) dst(%dma_wait3A_38 : memref<1000xf32, #tpu.memory_space<hbm>>)
      tpu.yield
    }) : () -> ()
    %run_scoped3A_13 = arith.constant 1 : i32
    "tpu.region"() ({
      %run_scoped3A_22 = tpu.sem_alloc : memref<!tpu.dma_semaphore, #tpu.memory_space<semaphore_mem>>
      %dma_start3A = arith.constant 1000 : i32
      %dma_start3A_23 = tpu.memref_slice %arg5[%dma_start3A] : memref<10000xf32, #tpu.memory_space<vmem>> -> memref<1000xf32, #tpu.memory_space<vmem>>
      %dma_start3A_24 = arith.constant 0 : i32
      %dma_start3A_25 = tpu.memref_slice %arg3[%run_scoped3A_13, %add3A, %dma_start3A_24] : memref<10x32x1000xf32, #tpu.memory_space<hbm>> -> memref<1x1x1000xf32, #tpu.memory_space<hbm>>
      %dma_start3A_26 = tpu.memref_squeeze %dma_start3A_25 : memref<1x1x1000xf32, #tpu.memory_space<hbm>> -> memref<1000xf32, #tpu.memory_space<hbm>>
      %dma_start3A_27 = arith.constant 0 : i32
      %dma_start3A_28 = tpu.memref_slice %arg3[%run_scoped3A_13, %add3A, %dma_start3A_27] : memref<10x32x1000xf32, #tpu.memory_space<hbm>> -> memref<1x1x1000xf32, #tpu.memory_space<hbm>>
      %dma_start3A_29 = tpu.memref_squeeze %dma_start3A_28 : memref<1x1x1000xf32, #tpu.memory_space<hbm>> -> memref<1000xf32, #tpu.memory_space<hbm>>
      %dma_start3A_30 = arith.constant 1000 : i32
      %dma_start3A_31 = tpu.memref_slice %arg5[%dma_start3A_30] : memref<10000xf32, #tpu.memory_space<vmem>> -> memref<1000xf32, #tpu.memory_space<vmem>>
      tpu.enqueue_dma source(%dma_start3A_31 : memref<1000xf32, #tpu.memory_space<vmem>>) target(%dma_start3A_29 : memref<1000xf32, #tpu.memory_space<hbm>>) target_semaphore(%run_scoped3A_22 : memref<!tpu.dma_semaphore, #tpu.memory_space<semaphore_mem>>)
      %dma_wait3A = arith.constant 1000 : i32
      %dma_wait3A_32 = tpu.memref_slice %arg5[%dma_wait3A] : memref<10000xf32, #tpu.memory_space<vmem>> -> memref<1000xf32, #tpu.memory_space<vmem>>
      %dma_wait3A_33 = arith.constant 0 : i32
      %dma_wait3A_34 = tpu.memref_slice %arg3[%run_scoped3A_13, %add3A, %dma_wait3A_33] : memref<10x32x1000xf32, #tpu.memory_space<hbm>> -> memref<1x1x1000xf32, #tpu.memory_space<hbm>>
      %dma_wait3A_35 = tpu.memref_squeeze %dma_wait3A_34 : memref<1x1x1000xf32, #tpu.memory_space<hbm>> -> memref<1000xf32, #tpu.memory_space<hbm>>
      %dma_wait3A_36 = arith.constant 0 : i32
      %dma_wait3A_37 = tpu.memref_slice %arg3[%run_scoped3A_13, %add3A, %dma_wait3A_36] : memref<10x32x1000xf32, #tpu.memory_space<hbm>> -> memref<1x1x1000xf32, #tpu.memory_space<hbm>>
      %dma_wait3A_38 = tpu.memref_squeeze %dma_wait3A_37 : memref<1x1x1000xf32, #tpu.memory_space<hbm>> -> memref<1000xf32, #tpu.memory_space<hbm>>
      %dma_wait3A_39 = arith.constant 1000 : i32
      %dma_wait3A_40 = tpu.memref_slice %arg5[%dma_wait3A_39] : memref<10000xf32, #tpu.memory_space<vmem>> -> memref<1000xf32, #tpu.memory_space<vmem>>
      tpu.wait_dma2 semaphore(%run_scoped3A_22 : memref<!tpu.dma_semaphore, #tpu.memory_space<semaphore_mem>>) src(%dma_wait3A_40 : memref<1000xf32, #tpu.memory_space<vmem>>) dst(%dma_wait3A_38 : memref<1000xf32, #tpu.memory_space<hbm>>)
      tpu.yield
    }) : () -> ()
    %run_scoped3A_14 = arith.constant 2 : i32
    "tpu.region"() ({
      %run_scoped3A_22 = tpu.sem_alloc : memref<!tpu.dma_semaphore, #tpu.memory_space<semaphore_mem>>
      %dma_start3A = arith.constant 2000 : i32
      %dma_start3A_23 = tpu.memref_slice %arg5[%dma_start3A] : memref<10000xf32, #tpu.memory_space<vmem>> -> memref<1000xf32, #tpu.memory_space<vmem>>
      %dma_start3A_24 = arith.constant 0 : i32
      %dma_start3A_25 = tpu.memref_slice %arg3[%run_scoped3A_14, %add3A, %dma_start3A_24] : memref<10x32x1000xf32, #tpu.memory_space<hbm>> -> memref<1x1x1000xf32, #tpu.memory_space<hbm>>
      %dma_start3A_26 = tpu.memref_squeeze %dma_start3A_25 : memref<1x1x1000xf32, #tpu.memory_space<hbm>> -> memref<1000xf32, #tpu.memory_space<hbm>>
      %dma_start3A_27 = arith.constant 0 : i32
      %dma_start3A_28 = tpu.memref_slice %arg3[%run_scoped3A_14, %add3A, %dma_start3A_27] : memref<10x32x1000xf32, #tpu.memory_space<hbm>> -> memref<1x1x1000xf32, #tpu.memory_space<hbm>>
      %dma_start3A_29 = tpu.memref_squeeze %dma_start3A_28 : memref<1x1x1000xf32, #tpu.memory_space<hbm>> -> memref<1000xf32, #tpu.memory_space<hbm>>
      %dma_start3A_30 = arith.constant 2000 : i32
      %dma_start3A_31 = tpu.memref_slice %arg5[%dma_start3A_30] : memref<10000xf32, #tpu.memory_space<vmem>> -> memref<1000xf32, #tpu.memory_space<vmem>>
      tpu.enqueue_dma source(%dma_start3A_31 : memref<1000xf32, #tpu.memory_space<vmem>>) target(%dma_start3A_29 : memref<1000xf32, #tpu.memory_space<hbm>>) target_semaphore(%run_scoped3A_22 : memref<!tpu.dma_semaphore, #tpu.memory_space<semaphore_mem>>)
      %dma_wait3A = arith.constant 2000 : i32
      %dma_wait3A_32 = tpu.memref_slice %arg5[%dma_wait3A] : memref<10000xf32, #tpu.memory_space<vmem>> -> memref<1000xf32, #tpu.memory_space<vmem>>
      %dma_wait3A_33 = arith.constant 0 : i32
      %dma_wait3A_34 = tpu.memref_slice %arg3[%run_scoped3A_14, %add3A, %dma_wait3A_33] : memref<10x32x1000xf32, #tpu.memory_space<hbm>> -> memref<1x1x1000xf32, #tpu.memory_space<hbm>>
      %dma_wait3A_35 = tpu.memref_squeeze %dma_wait3A_34 : memref<1x1x1000xf32, #tpu.memory_space<hbm>> -> memref<1000xf32, #tpu.memory_space<hbm>>
      %dma_wait3A_36 = arith.constant 0 : i32
      %dma_wait3A_37 = tpu.memref_slice %arg3[%run_scoped3A_14, %add3A, %dma_wait3A_36] : memref<10x32x1000xf32, #tpu.memory_space<hbm>> -> memref<1x1x1000xf32, #tpu.memory_space<hbm>>
      %dma_wait3A_38 = tpu.memref_squeeze %dma_wait3A_37 : memref<1x1x1000xf32, #tpu.memory_space<hbm>> -> memref<1000xf32, #tpu.memory_space<hbm>>
      %dma_wait3A_39 = arith.constant 2000 : i32
      %dma_wait3A_40 = tpu.memref_slice %arg5[%dma_wait3A_39] : memref<10000xf32, #tpu.memory_space<vmem>> -> memref<1000xf32, #tpu.memory_space<vmem>>
      tpu.wait_dma2 semaphore(%run_scoped3A_22 : memref<!tpu.dma_semaphore, #tpu.memory_space<semaphore_mem>>) src(%dma_wait3A_40 : memref<1000xf32, #tpu.memory_space<vmem>>) dst(%dma_wait3A_38 : memref<1000xf32, #tpu.memory_space<hbm>>)
      tpu.yield
    }) : () -> ()
    %run_scoped3A_15 = arith.constant 3 : i32
    "tpu.region"() ({
      %run_scoped3A_22 = tpu.sem_alloc : memref<!tpu.dma_semaphore, #tpu.memory_space<semaphore_mem>>
      %dma_start3A = arith.constant 3000 : i32
      %dma_start3A_23 = tpu.memref_slice %arg5[%dma_start3A] : memref<10000xf32, #tpu.memory_space<vmem>> -> memref<1000xf32, #tpu.memory_space<vmem>>
      %dma_start3A_24 = arith.constant 0 : i32
      %dma_start3A_25 = tpu.memref_slice %arg3[%run_scoped3A_15, %add3A, %dma_start3A_24] : memref<10x32x1000xf32, #tpu.memory_space<hbm>> -> memref<1x1x1000xf32, #tpu.memory_space<hbm>>
      %dma_start3A_26 = tpu.memref_squeeze %dma_start3A_25 : memref<1x1x1000xf32, #tpu.memory_space<hbm>> -> memref<1000xf32, #tpu.memory_space<hbm>>
      %dma_start3A_27 = arith.constant 0 : i32
      %dma_start3A_28 = tpu.memref_slice %arg3[%run_scoped3A_15, %add3A, %dma_start3A_27] : memref<10x32x1000xf32, #tpu.memory_space<hbm>> -> memref<1x1x1000xf32, #tpu.memory_space<hbm>>
      %dma_start3A_29 = tpu.memref_squeeze %dma_start3A_28 : memref<1x1x1000xf32, #tpu.memory_space<hbm>> -> memref<1000xf32, #tpu.memory_space<hbm>>
      %dma_start3A_30 = arith.constant 3000 : i32
      %dma_start3A_31 = tpu.memref_slice %arg5[%dma_start3A_30] : memref<10000xf32, #tpu.memory_space<vmem>> -> memref<1000xf32, #tpu.memory_space<vmem>>
      tpu.enqueue_dma source(%dma_start3A_31 : memref<1000xf32, #tpu.memory_space<vmem>>) target(%dma_start3A_29 : memref<1000xf32, #tpu.memory_space<hbm>>) target_semaphore(%run_scoped3A_22 : memref<!tpu.dma_semaphore, #tpu.memory_space<semaphore_mem>>)
      %dma_wait3A = arith.constant 3000 : i32
      %dma_wait3A_32 = tpu.memref_slice %arg5[%dma_wait3A] : memref<10000xf32, #tpu.memory_space<vmem>> -> memref<1000xf32, #tpu.memory_space<vmem>>
      %dma_wait3A_33 = arith.constant 0 : i32
      %dma_wait3A_34 = tpu.memref_slice %arg3[%run_scoped3A_15, %add3A, %dma_wait3A_33] : memref<10x32x1000xf32, #tpu.memory_space<hbm>> -> memref<1x1x1000xf32, #tpu.memory_space<hbm>>
      %dma_wait3A_35 = tpu.memref_squeeze %dma_wait3A_34 : memref<1x1x1000xf32, #tpu.memory_space<hbm>> -> memref<1000xf32, #tpu.memory_space<hbm>>
      %dma_wait3A_36 = arith.constant 0 : i32
      %dma_wait3A_37 = tpu.memref_slice %arg3[%run_scoped3A_15, %add3A, %dma_wait3A_36] : memref<10x32x1000xf32, #tpu.memory_space<hbm>> -> memref<1x1x1000xf32, #tpu.memory_space<hbm>>
      %dma_wait3A_38 = tpu.memref_squeeze %dma_wait3A_37 : memref<1x1x1000xf32, #tpu.memory_space<hbm>> -> memref<1000xf32, #tpu.memory_space<hbm>>
      %dma_wait3A_39 = arith.constant 3000 : i32
      %dma_wait3A_40 = tpu.memref_slice %arg5[%dma_wait3A_39] : memref<10000xf32, #tpu.memory_space<vmem>> -> memref<1000xf32, #tpu.memory_space<vmem>>
      tpu.wait_dma2 semaphore(%run_scoped3A_22 : memref<!tpu.dma_semaphore, #tpu.memory_space<semaphore_mem>>) src(%dma_wait3A_40 : memref<1000xf32, #tpu.memory_space<vmem>>) dst(%dma_wait3A_38 : memref<1000xf32, #tpu.memory_space<hbm>>)
      tpu.yield
    }) : () -> ()
    %run_scoped3A_16 = arith.constant 4 : i32
    "tpu.region"() ({
      %run_scoped3A_22 = tpu.sem_alloc : memref<!tpu.dma_semaphore, #tpu.memory_space<semaphore_mem>>
      %dma_start3A = arith.constant 4000 : i32
      %dma_start3A_23 = tpu.memref_slice %arg5[%dma_start3A] : memref<10000xf32, #tpu.memory_space<vmem>> -> memref<1000xf32, #tpu.memory_space<vmem>>
      %dma_start3A_24 = arith.constant 0 : i32
      %dma_start3A_25 = tpu.memref_slice %arg3[%run_scoped3A_16, %add3A, %dma_start3A_24] : memref<10x32x1000xf32, #tpu.memory_space<hbm>> -> memref<1x1x1000xf32, #tpu.memory_space<hbm>>
      %dma_start3A_26 = tpu.memref_squeeze %dma_start3A_25 : memref<1x1x1000xf32, #tpu.memory_space<hbm>> -> memref<1000xf32, #tpu.memory_space<hbm>>
      %dma_start3A_27 = arith.constant 0 : i32
      %dma_start3A_28 = tpu.memref_slice %arg3[%run_scoped3A_16, %add3A, %dma_start3A_27] : memref<10x32x1000xf32, #tpu.memory_space<hbm>> -> memref<1x1x1000xf32, #tpu.memory_space<hbm>>
      %dma_start3A_29 = tpu.memref_squeeze %dma_start3A_28 : memref<1x1x1000xf32, #tpu.memory_space<hbm>> -> memref<1000xf32, #tpu.memory_space<hbm>>
      %dma_start3A_30 = arith.constant 4000 : i32
      %dma_start3A_31 = tpu.memref_slice %arg5[%dma_start3A_30] : memref<10000xf32, #tpu.memory_space<vmem>> -> memref<1000xf32, #tpu.memory_space<vmem>>
      tpu.enqueue_dma source(%dma_start3A_31 : memref<1000xf32, #tpu.memory_space<vmem>>) target(%dma_start3A_29 : memref<1000xf32, #tpu.memory_space<hbm>>) target_semaphore(%run_scoped3A_22 : memref<!tpu.dma_semaphore, #tpu.memory_space<semaphore_mem>>)
      %dma_wait3A = arith.constant 4000 : i32
      %dma_wait3A_32 = tpu.memref_slice %arg5[%dma_wait3A] : memref<10000xf32, #tpu.memory_space<vmem>> -> memref<1000xf32, #tpu.memory_space<vmem>>
      %dma_wait3A_33 = arith.constant 0 : i32
      %dma_wait3A_34 = tpu.memref_slice %arg3[%run_scoped3A_16, %add3A, %dma_wait3A_33] : memref<10x32x1000xf32, #tpu.memory_space<hbm>> -> memref<1x1x1000xf32, #tpu.memory_space<hbm>>
      %dma_wait3A_35 = tpu.memref_squeeze %dma_wait3A_34 : memref<1x1x1000xf32, #tpu.memory_space<hbm>> -> memref<1000xf32, #tpu.memory_space<hbm>>
      %dma_wait3A_36 = arith.constant 0 : i32
      %dma_wait3A_37 = tpu.memref_slice %arg3[%run_scoped3A_16, %add3A, %dma_wait3A_36] : memref<10x32x1000xf32, #tpu.memory_space<hbm>> -> memref<1x1x1000xf32, #tpu.memory_space<hbm>>
      %dma_wait3A_38 = tpu.memref_squeeze %dma_wait3A_37 : memref<1x1x1000xf32, #tpu.memory_space<hbm>> -> memref<1000xf32, #tpu.memory_space<hbm>>
      %dma_wait3A_39 = arith.constant 4000 : i32
      %dma_wait3A_40 = tpu.memref_slice %arg5[%dma_wait3A_39] : memref<10000xf32, #tpu.memory_space<vmem>> -> memref<1000xf32, #tpu.memory_space<vmem>>
      tpu.wait_dma2 semaphore(%run_scoped3A_22 : memref<!tpu.dma_semaphore, #tpu.memory_space<semaphore_mem>>) src(%dma_wait3A_40 : memref<1000xf32, #tpu.memory_space<vmem>>) dst(%dma_wait3A_38 : memref<1000xf32, #tpu.memory_space<hbm>>)
      tpu.yield
    }) : () -> ()
    %run_scoped3A_17 = arith.constant 5 : i32
    "tpu.region"() ({
      %run_scoped3A_22 = tpu.sem_alloc : memref<!tpu.dma_semaphore, #tpu.memory_space<semaphore_mem>>
      %dma_start3A = arith.constant 5000 : i32
      %dma_start3A_23 = tpu.memref_slice %arg5[%dma_start3A] : memref<10000xf32, #tpu.memory_space<vmem>> -> memref<1000xf32, #tpu.memory_space<vmem>>
      %dma_start3A_24 = arith.constant 0 : i32
      %dma_start3A_25 = tpu.memref_slice %arg3[%run_scoped3A_17, %add3A, %dma_start3A_24] : memref<10x32x1000xf32, #tpu.memory_space<hbm>> -> memref<1x1x1000xf32, #tpu.memory_space<hbm>>
      %dma_start3A_26 = tpu.memref_squeeze %dma_start3A_25 : memref<1x1x1000xf32, #tpu.memory_space<hbm>> -> memref<1000xf32, #tpu.memory_space<hbm>>
      %dma_start3A_27 = arith.constant 0 : i32
      %dma_start3A_28 = tpu.memref_slice %arg3[%run_scoped3A_17, %add3A, %dma_start3A_27] : memref<10x32x1000xf32, #tpu.memory_space<hbm>> -> memref<1x1x1000xf32, #tpu.memory_space<hbm>>
      %dma_start3A_29 = tpu.memref_squeeze %dma_start3A_28 : memref<1x1x1000xf32, #tpu.memory_space<hbm>> -> memref<1000xf32, #tpu.memory_space<hbm>>
      %dma_start3A_30 = arith.constant 5000 : i32
      %dma_start3A_31 = tpu.memref_slice %arg5[%dma_start3A_30] : memref<10000xf32, #tpu.memory_space<vmem>> -> memref<1000xf32, #tpu.memory_space<vmem>>
      tpu.enqueue_dma source(%dma_start3A_31 : memref<1000xf32, #tpu.memory_space<vmem>>) target(%dma_start3A_29 : memref<1000xf32, #tpu.memory_space<hbm>>) target_semaphore(%run_scoped3A_22 : memref<!tpu.dma_semaphore, #tpu.memory_space<semaphore_mem>>)
      %dma_wait3A = arith.constant 5000 : i32
      %dma_wait3A_32 = tpu.memref_slice %arg5[%dma_wait3A] : memref<10000xf32, #tpu.memory_space<vmem>> -> memref<1000xf32, #tpu.memory_space<vmem>>
      %dma_wait3A_33 = arith.constant 0 : i32
      %dma_wait3A_34 = tpu.memref_slice %arg3[%run_scoped3A_17, %add3A, %dma_wait3A_33] : memref<10x32x1000xf32, #tpu.memory_space<hbm>> -> memref<1x1x1000xf32, #tpu.memory_space<hbm>>
      %dma_wait3A_35 = tpu.memref_squeeze %dma_wait3A_34 : memref<1x1x1000xf32, #tpu.memory_space<hbm>> -> memref<1000xf32, #tpu.memory_space<hbm>>
      %dma_wait3A_36 = arith.constant 0 : i32
      %dma_wait3A_37 = tpu.memref_slice %arg3[%run_scoped3A_17, %add3A, %dma_wait3A_36] : memref<10x32x1000xf32, #tpu.memory_space<hbm>> -> memref<1x1x1000xf32, #tpu.memory_space<hbm>>
      %dma_wait3A_38 = tpu.memref_squeeze %dma_wait3A_37 : memref<1x1x1000xf32, #tpu.memory_space<hbm>> -> memref<1000xf32, #tpu.memory_space<hbm>>
      %dma_wait3A_39 = arith.constant 5000 : i32
      %dma_wait3A_40 = tpu.memref_slice %arg5[%dma_wait3A_39] : memref<10000xf32, #tpu.memory_space<vmem>> -> memref<1000xf32, #tpu.memory_space<vmem>>
      tpu.wait_dma2 semaphore(%run_scoped3A_22 : memref<!tpu.dma_semaphore, #tpu.memory_space<semaphore_mem>>) src(%dma_wait3A_40 : memref<1000xf32, #tpu.memory_space<vmem>>) dst(%dma_wait3A_38 : memref<1000xf32, #tpu.memory_space<hbm>>)
      tpu.yield
    }) : () -> ()
    %run_scoped3A_18 = arith.constant 6 : i32
    "tpu.region"() ({
      %run_scoped3A_22 = tpu.sem_alloc : memref<!tpu.dma_semaphore, #tpu.memory_space<semaphore_mem>>
      %dma_start3A = arith.constant 6000 : i32
      %dma_start3A_23 = tpu.memref_slice %arg5[%dma_start3A] : memref<10000xf32, #tpu.memory_space<vmem>> -> memref<1000xf32, #tpu.memory_space<vmem>>
      %dma_start3A_24 = arith.constant 0 : i32
      %dma_start3A_25 = tpu.memref_slice %arg3[%run_scoped3A_18, %add3A, %dma_start3A_24] : memref<10x32x1000xf32, #tpu.memory_space<hbm>> -> memref<1x1x1000xf32, #tpu.memory_space<hbm>>
      %dma_start3A_26 = tpu.memref_squeeze %dma_start3A_25 : memref<1x1x1000xf32, #tpu.memory_space<hbm>> -> memref<1000xf32, #tpu.memory_space<hbm>>
      %dma_start3A_27 = arith.constant 0 : i32
      %dma_start3A_28 = tpu.memref_slice %arg3[%run_scoped3A_18, %add3A, %dma_start3A_27] : memref<10x32x1000xf32, #tpu.memory_space<hbm>> -> memref<1x1x1000xf32, #tpu.memory_space<hbm>>
      %dma_start3A_29 = tpu.memref_squeeze %dma_start3A_28 : memref<1x1x1000xf32, #tpu.memory_space<hbm>> -> memref<1000xf32, #tpu.memory_space<hbm>>
      %dma_start3A_30 = arith.constant 6000 : i32
      %dma_start3A_31 = tpu.memref_slice %arg5[%dma_start3A_30] : memref<10000xf32, #tpu.memory_space<vmem>> -> memref<1000xf32, #tpu.memory_space<vmem>>
      tpu.enqueue_dma source(%dma_start3A_31 : memref<1000xf32, #tpu.memory_space<vmem>>) target(%dma_start3A_29 : memref<1000xf32, #tpu.memory_space<hbm>>) target_semaphore(%run_scoped3A_22 : memref<!tpu.dma_semaphore, #tpu.memory_space<semaphore_mem>>)
      %dma_wait3A = arith.constant 6000 : i32
      %dma_wait3A_32 = tpu.memref_slice %arg5[%dma_wait3A] : memref<10000xf32, #tpu.memory_space<vmem>> -> memref<1000xf32, #tpu.memory_space<vmem>>
      %dma_wait3A_33 = arith.constant 0 : i32
      %dma_wait3A_34 = tpu.memref_slice %arg3[%run_scoped3A_18, %add3A, %dma_wait3A_33] : memref<10x32x1000xf32, #tpu.memory_space<hbm>> -> memref<1x1x1000xf32, #tpu.memory_space<hbm>>
      %dma_wait3A_35 = tpu.memref_squeeze %dma_wait3A_34 : memref<1x1x1000xf32, #tpu.memory_space<hbm>> -> memref<1000xf32, #tpu.memory_space<hbm>>
      %dma_wait3A_36 = arith.constant 0 : i32
      %dma_wait3A_37 = tpu.memref_slice %arg3[%run_scoped3A_18, %add3A, %dma_wait3A_36] : memref<10x32x1000xf32, #tpu.memory_space<hbm>> -> memref<1x1x1000xf32, #tpu.memory_space<hbm>>
      %dma_wait3A_38 = tpu.memref_squeeze %dma_wait3A_37 : memref<1x1x1000xf32, #tpu.memory_space<hbm>> -> memref<1000xf32, #tpu.memory_space<hbm>>
      %dma_wait3A_39 = arith.constant 6000 : i32
      %dma_wait3A_40 = tpu.memref_slice %arg5[%dma_wait3A_39] : memref<10000xf32, #tpu.memory_space<vmem>> -> memref<1000xf32, #tpu.memory_space<vmem>>
      tpu.wait_dma2 semaphore(%run_scoped3A_22 : memref<!tpu.dma_semaphore, #tpu.memory_space<semaphore_mem>>) src(%dma_wait3A_40 : memref<1000xf32, #tpu.memory_space<vmem>>) dst(%dma_wait3A_38 : memref<1000xf32, #tpu.memory_space<hbm>>)
      tpu.yield
    }) : () -> ()
    %run_scoped3A_19 = arith.constant 7 : i32
    "tpu.region"() ({
      %run_scoped3A_22 = tpu.sem_alloc : memref<!tpu.dma_semaphore, #tpu.memory_space<semaphore_mem>>
      %dma_start3A = arith.constant 7000 : i32
      %dma_start3A_23 = tpu.memref_slice %arg5[%dma_start3A] : memref<10000xf32, #tpu.memory_space<vmem>> -> memref<1000xf32, #tpu.memory_space<vmem>>
      %dma_start3A_24 = arith.constant 0 : i32
      %dma_start3A_25 = tpu.memref_slice %arg3[%run_scoped3A_19, %add3A, %dma_start3A_24] : memref<10x32x1000xf32, #tpu.memory_space<hbm>> -> memref<1x1x1000xf32, #tpu.memory_space<hbm>>
      %dma_start3A_26 = tpu.memref_squeeze %dma_start3A_25 : memref<1x1x1000xf32, #tpu.memory_space<hbm>> -> memref<1000xf32, #tpu.memory_space<hbm>>
      %dma_start3A_27 = arith.constant 0 : i32
      %dma_start3A_28 = tpu.memref_slice %arg3[%run_scoped3A_19, %add3A, %dma_start3A_27] : memref<10x32x1000xf32, #tpu.memory_space<hbm>> -> memref<1x1x1000xf32, #tpu.memory_space<hbm>>
      %dma_start3A_29 = tpu.memref_squeeze %dma_start3A_28 : memref<1x1x1000xf32, #tpu.memory_space<hbm>> -> memref<1000xf32, #tpu.memory_space<hbm>>
      %dma_start3A_30 = arith.constant 7000 : i32
      %dma_start3A_31 = tpu.memref_slice %arg5[%dma_start3A_30] : memref<10000xf32, #tpu.memory_space<vmem>> -> memref<1000xf32, #tpu.memory_space<vmem>>
      tpu.enqueue_dma source(%dma_start3A_31 : memref<1000xf32, #tpu.memory_space<vmem>>) target(%dma_start3A_29 : memref<1000xf32, #tpu.memory_space<hbm>>) target_semaphore(%run_scoped3A_22 : memref<!tpu.dma_semaphore, #tpu.memory_space<semaphore_mem>>)
      %dma_wait3A = arith.constant 7000 : i32
      %dma_wait3A_32 = tpu.memref_slice %arg5[%dma_wait3A] : memref<10000xf32, #tpu.memory_space<vmem>> -> memref<1000xf32, #tpu.memory_space<vmem>>
      %dma_wait3A_33 = arith.constant 0 : i32
      %dma_wait3A_34 = tpu.memref_slice %arg3[%run_scoped3A_19, %add3A, %dma_wait3A_33] : memref<10x32x1000xf32, #tpu.memory_space<hbm>> -> memref<1x1x1000xf32, #tpu.memory_space<hbm>>
      %dma_wait3A_35 = tpu.memref_squeeze %dma_wait3A_34 : memref<1x1x1000xf32, #tpu.memory_space<hbm>> -> memref<1000xf32, #tpu.memory_space<hbm>>
      %dma_wait3A_36 = arith.constant 0 : i32
      %dma_wait3A_37 = tpu.memref_slice %arg3[%run_scoped3A_19, %add3A, %dma_wait3A_36] : memref<10x32x1000xf32, #tpu.memory_space<hbm>> -> memref<1x1x1000xf32, #tpu.memory_space<hbm>>
      %dma_wait3A_38 = tpu.memref_squeeze %dma_wait3A_37 : memref<1x1x1000xf32, #tpu.memory_space<hbm>> -> memref<1000xf32, #tpu.memory_space<hbm>>
      %dma_wait3A_39 = arith.constant 7000 : i32
      %dma_wait3A_40 = tpu.memref_slice %arg5[%dma_wait3A_39] : memref<10000xf32, #tpu.memory_space<vmem>> -> memref<1000xf32, #tpu.memory_space<vmem>>
      tpu.wait_dma2 semaphore(%run_scoped3A_22 : memref<!tpu.dma_semaphore, #tpu.memory_space<semaphore_mem>>) src(%dma_wait3A_40 : memref<1000xf32, #tpu.memory_space<vmem>>) dst(%dma_wait3A_38 : memref<1000xf32, #tpu.memory_space<hbm>>)
      tpu.yield
    }) : () -> ()
    %run_scoped3A_20 = arith.constant 8 : i32
    "tpu.region"() ({
      %run_scoped3A_22 = tpu.sem_alloc : memref<!tpu.dma_semaphore, #tpu.memory_space<semaphore_mem>>
      %dma_start3A = arith.constant 8000 : i32
      %dma_start3A_23 = tpu.memref_slice %arg5[%dma_start3A] : memref<10000xf32, #tpu.memory_space<vmem>> -> memref<1000xf32, #tpu.memory_space<vmem>>
      %dma_start3A_24 = arith.constant 0 : i32
      %dma_start3A_25 = tpu.memref_slice %arg3[%run_scoped3A_20, %add3A, %dma_start3A_24] : memref<10x32x1000xf32, #tpu.memory_space<hbm>> -> memref<1x1x1000xf32, #tpu.memory_space<hbm>>
      %dma_start3A_26 = tpu.memref_squeeze %dma_start3A_25 : memref<1x1x1000xf32, #tpu.memory_space<hbm>> -> memref<1000xf32, #tpu.memory_space<hbm>>
      %dma_start3A_27 = arith.constant 0 : i32
      %dma_start3A_28 = tpu.memref_slice %arg3[%run_scoped3A_20, %add3A, %dma_start3A_27] : memref<10x32x1000xf32, #tpu.memory_space<hbm>> -> memref<1x1x1000xf32, #tpu.memory_space<hbm>>
      %dma_start3A_29 = tpu.memref_squeeze %dma_start3A_28 : memref<1x1x1000xf32, #tpu.memory_space<hbm>> -> memref<1000xf32, #tpu.memory_space<hbm>>
      %dma_start3A_30 = arith.constant 8000 : i32
      %dma_start3A_31 = tpu.memref_slice %arg5[%dma_start3A_30] : memref<10000xf32, #tpu.memory_space<vmem>> -> memref<1000xf32, #tpu.memory_space<vmem>>
      tpu.enqueue_dma source(%dma_start3A_31 : memref<1000xf32, #tpu.memory_space<vmem>>) target(%dma_start3A_29 : memref<1000xf32, #tpu.memory_space<hbm>>) target_semaphore(%run_scoped3A_22 : memref<!tpu.dma_semaphore, #tpu.memory_space<semaphore_mem>>)
      %dma_wait3A = arith.constant 8000 : i32
      %dma_wait3A_32 = tpu.memref_slice %arg5[%dma_wait3A] : memref<10000xf32, #tpu.memory_space<vmem>> -> memref<1000xf32, #tpu.memory_space<vmem>>
      %dma_wait3A_33 = arith.constant 0 : i32
      %dma_wait3A_34 = tpu.memref_slice %arg3[%run_scoped3A_20, %add3A, %dma_wait3A_33] : memref<10x32x1000xf32, #tpu.memory_space<hbm>> -> memref<1x1x1000xf32, #tpu.memory_space<hbm>>
      %dma_wait3A_35 = tpu.memref_squeeze %dma_wait3A_34 : memref<1x1x1000xf32, #tpu.memory_space<hbm>> -> memref<1000xf32, #tpu.memory_space<hbm>>
      %dma_wait3A_36 = arith.constant 0 : i32
      %dma_wait3A_37 = tpu.memref_slice %arg3[%run_scoped3A_20, %add3A, %dma_wait3A_36] : memref<10x32x1000xf32, #tpu.memory_space<hbm>> -> memref<1x1x1000xf32, #tpu.memory_space<hbm>>
      %dma_wait3A_38 = tpu.memref_squeeze %dma_wait3A_37 : memref<1x1x1000xf32, #tpu.memory_space<hbm>> -> memref<1000xf32, #tpu.memory_space<hbm>>
      %dma_wait3A_39 = arith.constant 8000 : i32
      %dma_wait3A_40 = tpu.memref_slice %arg5[%dma_wait3A_39] : memref<10000xf32, #tpu.memory_space<vmem>> -> memref<1000xf32, #tpu.memory_space<vmem>>
      tpu.wait_dma2 semaphore(%run_scoped3A_22 : memref<!tpu.dma_semaphore, #tpu.memory_space<semaphore_mem>>) src(%dma_wait3A_40 : memref<1000xf32, #tpu.memory_space<vmem>>) dst(%dma_wait3A_38 : memref<1000xf32, #tpu.memory_space<hbm>>)
      tpu.yield
    }) : () -> ()
    %run_scoped3A_21 = arith.constant 9 : i32
    "tpu.region"() ({
      %run_scoped3A_22 = tpu.sem_alloc : memref<!tpu.dma_semaphore, #tpu.memory_space<semaphore_mem>>
      %dma_start3A = arith.constant 9000 : i32
      %dma_start3A_23 = tpu.memref_slice %arg5[%dma_start3A] : memref<10000xf32, #tpu.memory_space<vmem>> -> memref<1000xf32, #tpu.memory_space<vmem>>
      %dma_start3A_24 = arith.constant 0 : i32
      %dma_start3A_25 = tpu.memref_slice %arg3[%run_scoped3A_21, %add3A, %dma_start3A_24] : memref<10x32x1000xf32, #tpu.memory_space<hbm>> -> memref<1x1x1000xf32, #tpu.memory_space<hbm>>
      %dma_start3A_26 = tpu.memref_squeeze %dma_start3A_25 : memref<1x1x1000xf32, #tpu.memory_space<hbm>> -> memref<1000xf32, #tpu.memory_space<hbm>>
      %dma_start3A_27 = arith.constant 0 : i32
      %dma_start3A_28 = tpu.memref_slice %arg3[%run_scoped3A_21, %add3A, %dma_start3A_27] : memref<10x32x1000xf32, #tpu.memory_space<hbm>> -> memref<1x1x1000xf32, #tpu.memory_space<hbm>>
      %dma_start3A_29 = tpu.memref_squeeze %dma_start3A_28 : memref<1x1x1000xf32, #tpu.memory_space<hbm>> -> memref<1000xf32, #tpu.memory_space<hbm>>
      %dma_start3A_30 = arith.constant 9000 : i32
      %dma_start3A_31 = tpu.memref_slice %arg5[%dma_start3A_30] : memref<10000xf32, #tpu.memory_space<vmem>> -> memref<1000xf32, #tpu.memory_space<vmem>>
      tpu.enqueue_dma source(%dma_start3A_31 : memref<1000xf32, #tpu.memory_space<vmem>>) target(%dma_start3A_29 : memref<1000xf32, #tpu.memory_space<hbm>>) target_semaphore(%run_scoped3A_22 : memref<!tpu.dma_semaphore, #tpu.memory_space<semaphore_mem>>)
      %dma_wait3A = arith.constant 9000 : i32
      %dma_wait3A_32 = tpu.memref_slice %arg5[%dma_wait3A] : memref<10000xf32, #tpu.memory_space<vmem>> -> memref<1000xf32, #tpu.memory_space<vmem>>
      %dma_wait3A_33 = arith.constant 0 : i32
      %dma_wait3A_34 = tpu.memref_slice %arg3[%run_scoped3A_21, %add3A, %dma_wait3A_33] : memref<10x32x1000xf32, #tpu.memory_space<hbm>> -> memref<1x1x1000xf32, #tpu.memory_space<hbm>>
      %dma_wait3A_35 = tpu.memref_squeeze %dma_wait3A_34 : memref<1x1x1000xf32, #tpu.memory_space<hbm>> -> memref<1000xf32, #tpu.memory_space<hbm>>
      %dma_wait3A_36 = arith.constant 0 : i32
      %dma_wait3A_37 = tpu.memref_slice %arg3[%run_scoped3A_21, %add3A, %dma_wait3A_36] : memref<10x32x1000xf32, #tpu.memory_space<hbm>> -> memref<1x1x1000xf32, #tpu.memory_space<hbm>>
      %dma_wait3A_38 = tpu.memref_squeeze %dma_wait3A_37 : memref<1x1x1000xf32, #tpu.memory_space<hbm>> -> memref<1000xf32, #tpu.memory_space<hbm>>
      %dma_wait3A_39 = arith.constant 9000 : i32
      %dma_wait3A_40 = tpu.memref_slice %arg5[%dma_wait3A_39] : memref<10000xf32, #tpu.memory_space<vmem>> -> memref<1000xf32, #tpu.memory_space<vmem>>
      tpu.wait_dma2 semaphore(%run_scoped3A_22 : memref<!tpu.dma_semaphore, #tpu.memory_space<semaphore_mem>>) src(%dma_wait3A_40 : memref<1000xf32, #tpu.memory_space<vmem>>) dst(%dma_wait3A_38 : memref<1000xf32, #tpu.memory_space<hbm>>)
      tpu.yield
    }) : () -> ()
    return
  }
}

#map = affine_map<(d0, d1) -> (0, 0)>
#map1 = affine_map<(d0, d1) -> (0, 0, 0)>
module attributes {stable_mosaic.version = 14 : i64} {
  func.func @_msg(%arg0: i32, %arg1: i32, %arg2: memref<10000x64xf32, #tpu.memory_space<hbm>>, %arg3: memref<32x125x80xi32, #tpu.memory_space<hbm>>, %arg4: memref<32x125x80xi32, #tpu.memory_space<hbm>>, %arg5: memref<625x64xf32, #tpu.memory_space<hbm>>, %arg6: memref<2x10000x64xf32, #tpu.memory_space<hbm>>, %arg7: memref<125x80xi32, #tpu.memory_space<vmem>>, %arg8: memref<125x80xi32, #tpu.memory_space<vmem>>, %arg9: memref<80x64xf32, #tpu.memory_space<vmem>>, %arg10: memref<80x64xf32, #tpu.memory_space<vmem>>, %arg11: memref<10000x64xf32, #tpu.memory_space<vmem_shared>>, %arg12: memref<!tpu.dma_semaphore, #tpu.memory_space<semaphore_mem>>, %arg13: memref<!tpu.dma_semaphore, #tpu.memory_space<semaphore_mem>>, %arg14: memref<10000x64xf32, #tpu.memory_space<vmem_shared>>) attributes {dimension_semantics = [#tpu.dimension_semantics<core_parallel>, #tpu.dimension_semantics<subcore_parallel>], iteration_bounds = array<i64: 2, 16>, scalar_prefetch = 0 : i64, scratch_operands = 8 : i64, tpu.core_type = #tpu.core_type<sc_vector_subcore>, window_params = [{transform_indices = #map}, {transform_indices = #map1}, {transform_indices = #map1}, {transform_indices = #map}, {transform_indices = #map1}]} {
    %mul3A = arith.constant 16 : i32
    %mul3A_0 = arith.muli %arg0, %mul3A : i32
    %add3A = arith.addi %mul3A_0, %arg1 : i32
    "tpu.region"() ({
      %run_scoped3A_28 = tpu.sem_alloc : memref<!tpu.dma_semaphore, #tpu.memory_space<semaphore_mem>>
      %dma_start3A_29 = arith.constant 0 : i32
      %dma_start3A_30 = arith.constant 0 : i32
      %dma_start3A_31 = tpu.memref_slice %arg3[%add3A, %dma_start3A_29, %dma_start3A_30] : memref<32x125x80xi32, #tpu.memory_space<hbm>> -> memref<1x125x80xi32, #tpu.memory_space<hbm>>
      %dma_start3A_32 = tpu.memref_squeeze %dma_start3A_31 : memref<1x125x80xi32, #tpu.memory_space<hbm>> -> memref<125x80xi32, #tpu.memory_space<hbm>>
      %dma_start3A_33 = arith.constant 0 : i32
      %dma_start3A_34 = arith.constant 0 : i32
      %dma_start3A_35 = tpu.memref_slice %arg3[%add3A, %dma_start3A_33, %dma_start3A_34] : memref<32x125x80xi32, #tpu.memory_space<hbm>> -> memref<1x125x80xi32, #tpu.memory_space<hbm>>
      %dma_start3A_36 = tpu.memref_squeeze %dma_start3A_35 : memref<1x125x80xi32, #tpu.memory_space<hbm>> -> memref<125x80xi32, #tpu.memory_space<hbm>>
      tpu.enqueue_dma source(%dma_start3A_36 : memref<125x80xi32, #tpu.memory_space<hbm>>) target(%arg7 : memref<125x80xi32, #tpu.memory_space<vmem>>) target_semaphore(%run_scoped3A_28 : memref<!tpu.dma_semaphore, #tpu.memory_space<semaphore_mem>>)
      %dma_wait3A_37 = arith.constant 0 : i32
      %dma_wait3A_38 = arith.constant 0 : i32
      %dma_wait3A_39 = tpu.memref_slice %arg3[%add3A, %dma_wait3A_37, %dma_wait3A_38] : memref<32x125x80xi32, #tpu.memory_space<hbm>> -> memref<1x125x80xi32, #tpu.memory_space<hbm>>
      %dma_wait3A_40 = tpu.memref_squeeze %dma_wait3A_39 : memref<1x125x80xi32, #tpu.memory_space<hbm>> -> memref<125x80xi32, #tpu.memory_space<hbm>>
      %dma_wait3A_41 = arith.constant 0 : i32
      %dma_wait3A_42 = arith.constant 0 : i32
      %dma_wait3A_43 = tpu.memref_slice %arg3[%add3A, %dma_wait3A_41, %dma_wait3A_42] : memref<32x125x80xi32, #tpu.memory_space<hbm>> -> memref<1x125x80xi32, #tpu.memory_space<hbm>>
      %dma_wait3A_44 = tpu.memref_squeeze %dma_wait3A_43 : memref<1x125x80xi32, #tpu.memory_space<hbm>> -> memref<125x80xi32, #tpu.memory_space<hbm>>
      tpu.wait_dma2 semaphore(%run_scoped3A_28 : memref<!tpu.dma_semaphore, #tpu.memory_space<semaphore_mem>>) src(%dma_wait3A_44 : memref<125x80xi32, #tpu.memory_space<hbm>>) dst(%arg7 : memref<125x80xi32, #tpu.memory_space<vmem>>)
      tpu.yield
    }) : () -> ()
    "tpu.region"() ({
      %run_scoped3A_28 = tpu.sem_alloc : memref<!tpu.dma_semaphore, #tpu.memory_space<semaphore_mem>>
      %dma_start3A_29 = arith.constant 0 : i32
      %dma_start3A_30 = arith.constant 0 : i32
      %dma_start3A_31 = tpu.memref_slice %arg4[%add3A, %dma_start3A_29, %dma_start3A_30] : memref<32x125x80xi32, #tpu.memory_space<hbm>> -> memref<1x125x80xi32, #tpu.memory_space<hbm>>
      %dma_start3A_32 = tpu.memref_squeeze %dma_start3A_31 : memref<1x125x80xi32, #tpu.memory_space<hbm>> -> memref<125x80xi32, #tpu.memory_space<hbm>>
      %dma_start3A_33 = arith.constant 0 : i32
      %dma_start3A_34 = arith.constant 0 : i32
      %dma_start3A_35 = tpu.memref_slice %arg4[%add3A, %dma_start3A_33, %dma_start3A_34] : memref<32x125x80xi32, #tpu.memory_space<hbm>> -> memref<1x125x80xi32, #tpu.memory_space<hbm>>
      %dma_start3A_36 = tpu.memref_squeeze %dma_start3A_35 : memref<1x125x80xi32, #tpu.memory_space<hbm>> -> memref<125x80xi32, #tpu.memory_space<hbm>>
      tpu.enqueue_dma source(%dma_start3A_36 : memref<125x80xi32, #tpu.memory_space<hbm>>) target(%arg8 : memref<125x80xi32, #tpu.memory_space<vmem>>) target_semaphore(%run_scoped3A_28 : memref<!tpu.dma_semaphore, #tpu.memory_space<semaphore_mem>>)
      %dma_wait3A_37 = arith.constant 0 : i32
      %dma_wait3A_38 = arith.constant 0 : i32
      %dma_wait3A_39 = tpu.memref_slice %arg4[%add3A, %dma_wait3A_37, %dma_wait3A_38] : memref<32x125x80xi32, #tpu.memory_space<hbm>> -> memref<1x125x80xi32, #tpu.memory_space<hbm>>
      %dma_wait3A_40 = tpu.memref_squeeze %dma_wait3A_39 : memref<1x125x80xi32, #tpu.memory_space<hbm>> -> memref<125x80xi32, #tpu.memory_space<hbm>>
      %dma_wait3A_41 = arith.constant 0 : i32
      %dma_wait3A_42 = arith.constant 0 : i32
      %dma_wait3A_43 = tpu.memref_slice %arg4[%add3A, %dma_wait3A_41, %dma_wait3A_42] : memref<32x125x80xi32, #tpu.memory_space<hbm>> -> memref<1x125x80xi32, #tpu.memory_space<hbm>>
      %dma_wait3A_44 = tpu.memref_squeeze %dma_wait3A_43 : memref<1x125x80xi32, #tpu.memory_space<hbm>> -> memref<125x80xi32, #tpu.memory_space<hbm>>
      tpu.wait_dma2 semaphore(%run_scoped3A_28 : memref<!tpu.dma_semaphore, #tpu.memory_space<semaphore_mem>>) src(%dma_wait3A_44 : memref<125x80xi32, #tpu.memory_space<hbm>>) dst(%arg8 : memref<125x80xi32, #tpu.memory_space<vmem>>)
      tpu.yield
    }) : () -> ()
    %mul3A_1 = arith.constant 625 : i32
    %mul3A_2 = arith.muli %arg1, %mul3A_1 : i32
    "tpu.region"() ({
      %run_scoped3A_28 = tpu.sem_alloc : memref<!tpu.dma_semaphore, #tpu.memory_space<semaphore_mem>>
      %dma_start3A_29 = arith.constant 0 : i32
      %dma_start3A_30 = tpu.memref_slice %arg11[%mul3A_2, %dma_start3A_29] : memref<10000x64xf32, #tpu.memory_space<vmem_shared>> -> memref<625x64xf32, #tpu.memory_space<vmem_shared>>
      tpu.enqueue_dma source(%arg5 : memref<625x64xf32, #tpu.memory_space<hbm>>) target(%dma_start3A_30 : memref<625x64xf32, #tpu.memory_space<vmem_shared>>) target_semaphore(%run_scoped3A_28 : memref<!tpu.dma_semaphore, #tpu.memory_space<semaphore_mem>>)
      %dma_wait3A_31 = arith.constant 0 : i32
      %dma_wait3A_32 = tpu.memref_slice %arg11[%mul3A_2, %dma_wait3A_31] : memref<10000x64xf32, #tpu.memory_space<vmem_shared>> -> memref<625x64xf32, #tpu.memory_space<vmem_shared>>
      tpu.wait_dma2 semaphore(%run_scoped3A_28 : memref<!tpu.dma_semaphore, #tpu.memory_space<semaphore_mem>>) src(%arg5 : memref<625x64xf32, #tpu.memory_space<hbm>>) dst(%dma_wait3A_32 : memref<625x64xf32, #tpu.memory_space<vmem_shared>>)
      tpu.yield
    }) : () -> ()
    %mul3A_3 = arith.constant 625 : i32
    %mul3A_4 = arith.muli %arg1, %mul3A_3 : i32
    %mul3A_5 = arith.constant 625 : i32
    %mul3A_6 = arith.muli %arg1, %mul3A_5 : i32
    "tpu.region"() ({
      %run_scoped3A_28 = tpu.sem_alloc : memref<!tpu.dma_semaphore, #tpu.memory_space<semaphore_mem>>
      %dma_start3A_29 = arith.constant 0 : i32
      %dma_start3A_30 = tpu.memref_slice %arg14[%mul3A_6, %dma_start3A_29] : memref<10000x64xf32, #tpu.memory_space<vmem_shared>> -> memref<625x64xf32, #tpu.memory_space<vmem_shared>>
      %dma_start3A_31 = arith.constant 0 : i32
      %dma_start3A_32 = tpu.memref_slice %arg2[%mul3A_4, %dma_start3A_31] : memref<10000x64xf32, #tpu.memory_space<hbm>> -> memref<625x64xf32, #tpu.memory_space<hbm>>
      tpu.enqueue_dma source(%dma_start3A_32 : memref<625x64xf32, #tpu.memory_space<hbm>>) target(%dma_start3A_30 : memref<625x64xf32, #tpu.memory_space<vmem_shared>>) target_semaphore(%run_scoped3A_28 : memref<!tpu.dma_semaphore, #tpu.memory_space<semaphore_mem>>)
      %dma_wait3A_33 = arith.constant 0 : i32
      %dma_wait3A_34 = tpu.memref_slice %arg14[%mul3A_6, %dma_wait3A_33] : memref<10000x64xf32, #tpu.memory_space<vmem_shared>> -> memref<625x64xf32, #tpu.memory_space<vmem_shared>>
      %dma_wait3A_35 = arith.constant 0 : i32
      %dma_wait3A_36 = tpu.memref_slice %arg2[%mul3A_4, %dma_wait3A_35] : memref<10000x64xf32, #tpu.memory_space<hbm>> -> memref<625x64xf32, #tpu.memory_space<hbm>>
      tpu.wait_dma2 semaphore(%run_scoped3A_28 : memref<!tpu.dma_semaphore, #tpu.memory_space<semaphore_mem>>) src(%dma_wait3A_36 : memref<625x64xf32, #tpu.memory_space<hbm>>) dst(%dma_wait3A_34 : memref<625x64xf32, #tpu.memory_space<vmem_shared>>)
      tpu.yield
    }) : () -> ()
    %barrier3A = arith.constant 0 : index
    tpu.barrier barrier_id(%barrier3A)
    %dma_start3A = arith.constant 0 : i32
    %dma_start3A_7 = arith.constant 0 : i32
    %dma_start3A_8 = tpu.memref_slice %arg7[%dma_start3A, %dma_start3A_7] : memref<125x80xi32, #tpu.memory_space<vmem>> -> memref<1x80xi32, #tpu.memory_space<vmem>>
    %dma_start3A_9 = tpu.memref_squeeze %dma_start3A_8 : memref<1x80xi32, #tpu.memory_space<vmem>> -> memref<80xi32, #tpu.memory_space<vmem>>
    %dma_start3A_10 = arith.constant 0 : i32
    %dma_start3A_11 = arith.constant 0 : i32
    %dma_start3A_12 = tpu.memref_slice %arg14[%dma_start3A_10, %dma_start3A_11] : memref<10000x64xf32, #tpu.memory_space<vmem_shared>> -> memref<10000x64xf32, #tpu.memory_space<vmem_shared>>
    tpu.enqueue_indirect_dma source(%dma_start3A_12 : memref<10000x64xf32, #tpu.memory_space<vmem_shared>>) target(%arg9 : memref<80x64xf32, #tpu.memory_space<vmem>>) offsets(%dma_start3A_9 : memref<80xi32, #tpu.memory_space<vmem>>) semaphore(%arg12 : memref<!tpu.dma_semaphore, #tpu.memory_space<semaphore_mem>>)
    %scan3A = arith.constant 0 : i32
    %scan3A_13 = arith.constant 62 : i32
    %scan3A_14 = arith.addi %scan3A, %scan3A_13 : i32
    %scan3A_15 = arith.constant 1 : i32
    scf.for %scan3A_28 = %scan3A to %scan3A_14 step %scan3A_15  : i32 {
      %mul3A_29 = arith.constant 1 : i32
      %mul3A_30 = arith.muli %scan3A_28, %mul3A_29 : i32
      %add3A_31 = arith.constant 0 : i32
      %add3A_32 = arith.addi %add3A_31, %mul3A_30 : i32
      %mul3A_33 = arith.constant 2 : i32
      %mul3A_34 = arith.muli %mul3A_33, %add3A_32 : i32
      %dma_wait3A_35 = arith.constant 0 : i32
      %dma_wait3A_36 = tpu.memref_slice %arg7[%mul3A_34, %dma_wait3A_35] : memref<125x80xi32, #tpu.memory_space<vmem>> -> memref<1x80xi32, #tpu.memory_space<vmem>>
      %dma_wait3A_37 = tpu.memref_squeeze %dma_wait3A_36 : memref<1x80xi32, #tpu.memory_space<vmem>> -> memref<80xi32, #tpu.memory_space<vmem>>
      %dma_wait3A_38 = arith.constant 0 : i32
      %dma_wait3A_39 = arith.constant 0 : i32
      %dma_wait3A_40 = tpu.memref_slice %arg14[%dma_wait3A_38, %dma_wait3A_39] : memref<10000x64xf32, #tpu.memory_space<vmem_shared>> -> memref<10000x64xf32, #tpu.memory_space<vmem_shared>>
      tpu.wait_indirect_dma semaphore(%arg12 : memref<!tpu.dma_semaphore, #tpu.memory_space<semaphore_mem>>) src(%dma_wait3A_40 : memref<10000x64xf32, #tpu.memory_space<vmem_shared>>) dst(%arg9 : memref<80x64xf32, #tpu.memory_space<vmem>>)
      %add3A_41 = arith.constant 1 : i32
      %add3A_42 = arith.addi %mul3A_34, %add3A_41 : i32
      %dma_start3A_43 = arith.constant 0 : i32
      %dma_start3A_44 = tpu.memref_slice %arg7[%add3A_42, %dma_start3A_43] : memref<125x80xi32, #tpu.memory_space<vmem>> -> memref<1x80xi32, #tpu.memory_space<vmem>>
      %dma_start3A_45 = tpu.memref_squeeze %dma_start3A_44 : memref<1x80xi32, #tpu.memory_space<vmem>> -> memref<80xi32, #tpu.memory_space<vmem>>
      %dma_start3A_46 = arith.constant 0 : i32
      %dma_start3A_47 = arith.constant 0 : i32
      %dma_start3A_48 = tpu.memref_slice %arg14[%dma_start3A_46, %dma_start3A_47] : memref<10000x64xf32, #tpu.memory_space<vmem_shared>> -> memref<10000x64xf32, #tpu.memory_space<vmem_shared>>
      tpu.enqueue_indirect_dma source(%dma_start3A_48 : memref<10000x64xf32, #tpu.memory_space<vmem_shared>>) target(%arg10 : memref<80x64xf32, #tpu.memory_space<vmem>>) offsets(%dma_start3A_45 : memref<80xi32, #tpu.memory_space<vmem>>) semaphore(%arg13 : memref<!tpu.dma_semaphore, #tpu.memory_space<semaphore_mem>>)
      "tpu.region"() ({
        %run_scoped3A_67 = tpu.sem_alloc : memref<!tpu.dma_semaphore, #tpu.memory_space<semaphore_mem>>
        %dma_start3A_68 = arith.constant 0 : i32
        %dma_start3A_69 = tpu.memref_slice %arg8[%mul3A_34, %dma_start3A_68] : memref<125x80xi32, #tpu.memory_space<vmem>> -> memref<1x80xi32, #tpu.memory_space<vmem>>
        %dma_start3A_70 = tpu.memref_squeeze %dma_start3A_69 : memref<1x80xi32, #tpu.memory_space<vmem>> -> memref<80xi32, #tpu.memory_space<vmem>>
        %dma_start3A_71 = arith.constant 0 : i32
        %dma_start3A_72 = arith.constant 0 : i32
        %dma_start3A_73 = tpu.memref_slice %arg11[%dma_start3A_71, %dma_start3A_72] : memref<10000x64xf32, #tpu.memory_space<vmem_shared>> -> memref<10000x64xf32, #tpu.memory_space<vmem_shared>>
        tpu.enqueue_indirect_dma source(%arg9 : memref<80x64xf32, #tpu.memory_space<vmem>>) target(%dma_start3A_73 : memref<10000x64xf32, #tpu.memory_space<vmem_shared>>) offsets(%dma_start3A_70 : memref<80xi32, #tpu.memory_space<vmem>>) semaphore(%run_scoped3A_67 : memref<!tpu.dma_semaphore, #tpu.memory_space<semaphore_mem>>) {add = true}
        %dma_wait3A_74 = arith.constant 0 : i32
        %dma_wait3A_75 = tpu.memref_slice %arg8[%mul3A_34, %dma_wait3A_74] : memref<125x80xi32, #tpu.memory_space<vmem>> -> memref<1x80xi32, #tpu.memory_space<vmem>>
        %dma_wait3A_76 = tpu.memref_squeeze %dma_wait3A_75 : memref<1x80xi32, #tpu.memory_space<vmem>> -> memref<80xi32, #tpu.memory_space<vmem>>
        %dma_wait3A_77 = arith.constant 0 : i32
        %dma_wait3A_78 = arith.constant 0 : i32
        %dma_wait3A_79 = tpu.memref_slice %arg11[%dma_wait3A_77, %dma_wait3A_78] : memref<10000x64xf32, #tpu.memory_space<vmem_shared>> -> memref<10000x64xf32, #tpu.memory_space<vmem_shared>>
        tpu.wait_indirect_dma semaphore(%run_scoped3A_67 : memref<!tpu.dma_semaphore, #tpu.memory_space<semaphore_mem>>) src(%arg9 : memref<80x64xf32, #tpu.memory_space<vmem>>) dst(%dma_wait3A_79 : memref<10000x64xf32, #tpu.memory_space<vmem_shared>>)
        tpu.yield
      }) : () -> ()
      %add3A_49 = arith.constant 1 : i32
      %add3A_50 = arith.addi %mul3A_34, %add3A_49 : i32
      %dma_wait3A_51 = arith.constant 0 : i32
      %dma_wait3A_52 = tpu.memref_slice %arg7[%add3A_50, %dma_wait3A_51] : memref<125x80xi32, #tpu.memory_space<vmem>> -> memref<1x80xi32, #tpu.memory_space<vmem>>
      %dma_wait3A_53 = tpu.memref_squeeze %dma_wait3A_52 : memref<1x80xi32, #tpu.memory_space<vmem>> -> memref<80xi32, #tpu.memory_space<vmem>>
      %dma_wait3A_54 = arith.constant 0 : i32
      %dma_wait3A_55 = arith.constant 0 : i32
      %dma_wait3A_56 = tpu.memref_slice %arg14[%dma_wait3A_54, %dma_wait3A_55] : memref<10000x64xf32, #tpu.memory_space<vmem_shared>> -> memref<10000x64xf32, #tpu.memory_space<vmem_shared>>
      tpu.wait_indirect_dma semaphore(%arg13 : memref<!tpu.dma_semaphore, #tpu.memory_space<semaphore_mem>>) src(%dma_wait3A_56 : memref<10000x64xf32, #tpu.memory_space<vmem_shared>>) dst(%arg10 : memref<80x64xf32, #tpu.memory_space<vmem>>)
      %add3A_57 = arith.constant 2 : i32
      %add3A_58 = arith.addi %mul3A_34, %add3A_57 : i32
      %dma_start3A_59 = arith.constant 0 : i32
      %dma_start3A_60 = tpu.memref_slice %arg7[%add3A_58, %dma_start3A_59] : memref<125x80xi32, #tpu.memory_space<vmem>> -> memref<1x80xi32, #tpu.memory_space<vmem>>
      %dma_start3A_61 = tpu.memref_squeeze %dma_start3A_60 : memref<1x80xi32, #tpu.memory_space<vmem>> -> memref<80xi32, #tpu.memory_space<vmem>>
      %dma_start3A_62 = arith.constant 0 : i32
      %dma_start3A_63 = arith.constant 0 : i32
      %dma_start3A_64 = tpu.memref_slice %arg14[%dma_start3A_62, %dma_start3A_63] : memref<10000x64xf32, #tpu.memory_space<vmem_shared>> -> memref<10000x64xf32, #tpu.memory_space<vmem_shared>>
      tpu.enqueue_indirect_dma source(%dma_start3A_64 : memref<10000x64xf32, #tpu.memory_space<vmem_shared>>) target(%arg9 : memref<80x64xf32, #tpu.memory_space<vmem>>) offsets(%dma_start3A_61 : memref<80xi32, #tpu.memory_space<vmem>>) semaphore(%arg12 : memref<!tpu.dma_semaphore, #tpu.memory_space<semaphore_mem>>)
      %add3A_65 = arith.constant 1 : i32
      %add3A_66 = arith.addi %mul3A_34, %add3A_65 : i32
      "tpu.region"() ({
        %run_scoped3A_67 = tpu.sem_alloc : memref<!tpu.dma_semaphore, #tpu.memory_space<semaphore_mem>>
        %dma_start3A_68 = arith.constant 0 : i32
        %dma_start3A_69 = tpu.memref_slice %arg8[%add3A_66, %dma_start3A_68] : memref<125x80xi32, #tpu.memory_space<vmem>> -> memref<1x80xi32, #tpu.memory_space<vmem>>
        %dma_start3A_70 = tpu.memref_squeeze %dma_start3A_69 : memref<1x80xi32, #tpu.memory_space<vmem>> -> memref<80xi32, #tpu.memory_space<vmem>>
        %dma_start3A_71 = arith.constant 0 : i32
        %dma_start3A_72 = arith.constant 0 : i32
        %dma_start3A_73 = tpu.memref_slice %arg11[%dma_start3A_71, %dma_start3A_72] : memref<10000x64xf32, #tpu.memory_space<vmem_shared>> -> memref<10000x64xf32, #tpu.memory_space<vmem_shared>>
        tpu.enqueue_indirect_dma source(%arg10 : memref<80x64xf32, #tpu.memory_space<vmem>>) target(%dma_start3A_73 : memref<10000x64xf32, #tpu.memory_space<vmem_shared>>) offsets(%dma_start3A_70 : memref<80xi32, #tpu.memory_space<vmem>>) semaphore(%run_scoped3A_67 : memref<!tpu.dma_semaphore, #tpu.memory_space<semaphore_mem>>) {add = true}
        %dma_wait3A_74 = arith.constant 0 : i32
        %dma_wait3A_75 = tpu.memref_slice %arg8[%add3A_66, %dma_wait3A_74] : memref<125x80xi32, #tpu.memory_space<vmem>> -> memref<1x80xi32, #tpu.memory_space<vmem>>
        %dma_wait3A_76 = tpu.memref_squeeze %dma_wait3A_75 : memref<1x80xi32, #tpu.memory_space<vmem>> -> memref<80xi32, #tpu.memory_space<vmem>>
        %dma_wait3A_77 = arith.constant 0 : i32
        %dma_wait3A_78 = arith.constant 0 : i32
        %dma_wait3A_79 = tpu.memref_slice %arg11[%dma_wait3A_77, %dma_wait3A_78] : memref<10000x64xf32, #tpu.memory_space<vmem_shared>> -> memref<10000x64xf32, #tpu.memory_space<vmem_shared>>
        tpu.wait_indirect_dma semaphore(%run_scoped3A_67 : memref<!tpu.dma_semaphore, #tpu.memory_space<semaphore_mem>>) src(%arg10 : memref<80x64xf32, #tpu.memory_space<vmem>>) dst(%dma_wait3A_79 : memref<10000x64xf32, #tpu.memory_space<vmem_shared>>)
        tpu.yield
      }) : () -> ()
    }
    %scan3A_16 = arith.constant 62 : i32
    %dma_wait3A = arith.constant 124 : i32
    %dma_wait3A_17 = arith.constant 0 : i32
    %dma_wait3A_18 = tpu.memref_slice %arg7[%dma_wait3A, %dma_wait3A_17] : memref<125x80xi32, #tpu.memory_space<vmem>> -> memref<1x80xi32, #tpu.memory_space<vmem>>
    %dma_wait3A_19 = tpu.memref_squeeze %dma_wait3A_18 : memref<1x80xi32, #tpu.memory_space<vmem>> -> memref<80xi32, #tpu.memory_space<vmem>>
    %dma_wait3A_20 = arith.constant 0 : i32
    %dma_wait3A_21 = arith.constant 0 : i32
    %dma_wait3A_22 = tpu.memref_slice %arg14[%dma_wait3A_20, %dma_wait3A_21] : memref<10000x64xf32, #tpu.memory_space<vmem_shared>> -> memref<10000x64xf32, #tpu.memory_space<vmem_shared>>
    tpu.wait_indirect_dma semaphore(%arg12 : memref<!tpu.dma_semaphore, #tpu.memory_space<semaphore_mem>>) src(%dma_wait3A_22 : memref<10000x64xf32, #tpu.memory_space<vmem_shared>>) dst(%arg9 : memref<80x64xf32, #tpu.memory_space<vmem>>)
    %run_scoped3A = arith.constant 124 : i32
    "tpu.region"() ({
      %run_scoped3A_28 = tpu.sem_alloc : memref<!tpu.dma_semaphore, #tpu.memory_space<semaphore_mem>>
      %dma_start3A_29 = arith.constant 0 : i32
      %dma_start3A_30 = tpu.memref_slice %arg8[%run_scoped3A, %dma_start3A_29] : memref<125x80xi32, #tpu.memory_space<vmem>> -> memref<1x80xi32, #tpu.memory_space<vmem>>
      %dma_start3A_31 = tpu.memref_squeeze %dma_start3A_30 : memref<1x80xi32, #tpu.memory_space<vmem>> -> memref<80xi32, #tpu.memory_space<vmem>>
      %dma_start3A_32 = arith.constant 0 : i32
      %dma_start3A_33 = arith.constant 0 : i32
      %dma_start3A_34 = tpu.memref_slice %arg11[%dma_start3A_32, %dma_start3A_33] : memref<10000x64xf32, #tpu.memory_space<vmem_shared>> -> memref<10000x64xf32, #tpu.memory_space<vmem_shared>>
      tpu.enqueue_indirect_dma source(%arg9 : memref<80x64xf32, #tpu.memory_space<vmem>>) target(%dma_start3A_34 : memref<10000x64xf32, #tpu.memory_space<vmem_shared>>) offsets(%dma_start3A_31 : memref<80xi32, #tpu.memory_space<vmem>>) semaphore(%run_scoped3A_28 : memref<!tpu.dma_semaphore, #tpu.memory_space<semaphore_mem>>) {add = true}
      %dma_wait3A_35 = arith.constant 0 : i32
      %dma_wait3A_36 = tpu.memref_slice %arg8[%run_scoped3A, %dma_wait3A_35] : memref<125x80xi32, #tpu.memory_space<vmem>> -> memref<1x80xi32, #tpu.memory_space<vmem>>
      %dma_wait3A_37 = tpu.memref_squeeze %dma_wait3A_36 : memref<1x80xi32, #tpu.memory_space<vmem>> -> memref<80xi32, #tpu.memory_space<vmem>>
      %dma_wait3A_38 = arith.constant 0 : i32
      %dma_wait3A_39 = arith.constant 0 : i32
      %dma_wait3A_40 = tpu.memref_slice %arg11[%dma_wait3A_38, %dma_wait3A_39] : memref<10000x64xf32, #tpu.memory_space<vmem_shared>> -> memref<10000x64xf32, #tpu.memory_space<vmem_shared>>
      tpu.wait_indirect_dma semaphore(%run_scoped3A_28 : memref<!tpu.dma_semaphore, #tpu.memory_space<semaphore_mem>>) src(%arg9 : memref<80x64xf32, #tpu.memory_space<vmem>>) dst(%dma_wait3A_40 : memref<10000x64xf32, #tpu.memory_space<vmem_shared>>)
      tpu.yield
    }) : () -> ()
    %barrier3A_23 = arith.constant 0 : index
    tpu.barrier barrier_id(%barrier3A_23)
    %mul3A_24 = arith.constant 625 : i32
    %mul3A_25 = arith.muli %arg1, %mul3A_24 : i32
    %mul3A_26 = arith.constant 625 : i32
    %mul3A_27 = arith.muli %arg1, %mul3A_26 : i32
    "tpu.region"() ({
      %run_scoped3A_28 = tpu.sem_alloc : memref<!tpu.dma_semaphore, #tpu.memory_space<semaphore_mem>>
      %dma_start3A_29 = arith.constant 0 : i32
      %dma_start3A_30 = tpu.memref_slice %arg6[%arg0, %mul3A_27, %dma_start3A_29] : memref<2x10000x64xf32, #tpu.memory_space<hbm>> -> memref<1x625x64xf32, #tpu.memory_space<hbm>>
      %dma_start3A_31 = tpu.memref_squeeze %dma_start3A_30 : memref<1x625x64xf32, #tpu.memory_space<hbm>> -> memref<625x64xf32, #tpu.memory_space<hbm>>
      %dma_start3A_32 = arith.constant 0 : i32
      %dma_start3A_33 = tpu.memref_slice %arg11[%mul3A_25, %dma_start3A_32] : memref<10000x64xf32, #tpu.memory_space<vmem_shared>> -> memref<625x64xf32, #tpu.memory_space<vmem_shared>>
      tpu.enqueue_dma source(%dma_start3A_33 : memref<625x64xf32, #tpu.memory_space<vmem_shared>>) target(%dma_start3A_31 : memref<625x64xf32, #tpu.memory_space<hbm>>) target_semaphore(%run_scoped3A_28 : memref<!tpu.dma_semaphore, #tpu.memory_space<semaphore_mem>>)
      %dma_wait3A_34 = arith.constant 0 : i32
      %dma_wait3A_35 = tpu.memref_slice %arg6[%arg0, %mul3A_27, %dma_wait3A_34] : memref<2x10000x64xf32, #tpu.memory_space<hbm>> -> memref<1x625x64xf32, #tpu.memory_space<hbm>>
      %dma_wait3A_36 = tpu.memref_squeeze %dma_wait3A_35 : memref<1x625x64xf32, #tpu.memory_space<hbm>> -> memref<625x64xf32, #tpu.memory_space<hbm>>
      %dma_wait3A_37 = arith.constant 0 : i32
      %dma_wait3A_38 = tpu.memref_slice %arg11[%mul3A_25, %dma_wait3A_37] : memref<10000x64xf32, #tpu.memory_space<vmem_shared>> -> memref<625x64xf32, #tpu.memory_space<vmem_shared>>
      tpu.wait_dma2 semaphore(%run_scoped3A_28 : memref<!tpu.dma_semaphore, #tpu.memory_space<semaphore_mem>>) src(%dma_wait3A_38 : memref<625x64xf32, #tpu.memory_space<vmem_shared>>) dst(%dma_wait3A_36 : memref<625x64xf32, #tpu.memory_space<hbm>>)
      tpu.yield
    }) : () -> ()
    return
  }
}

module attributes {stable_mosaic.version = 14 : i64} {
  func.func @_prep1_body(%arg0: i32, %arg1: memref<1000x128xf32, #tpu.memory_space<vmem>>, %arg2: memref<128x128xf32, #tpu.memory_space<vmem>>, %arg3: memref<1x32x1000xf32, #tpu.memory_space<vmem>>, %arg4: memref<1000x128xf32, #tpu.memory_space<vmem>>) attributes {dimension_semantics = [#tpu.dimension_semantics<arbitrary>], iteration_bounds = array<i64: 10>, scalar_prefetch = 0 : i64, scratch_operands = 0 : i64, tpu.core_type = #tpu.core_type<tc>, window_params = [{transform_indices = @transform_0, window_bounds = array<i64: 1000, 128>}, {pipeline_mode = #tpu.pipeline_mode<synchronous>, transform_indices = @transform_1, window_bounds = array<i64: 128, 128>}, {transform_indices = @transform_2, window_bounds = array<i64: 1, 32, 1000>}, {transform_indices = @transform_3, window_bounds = array<i64: 1000, 128>}]} {
    %get3A = arith.constant 0 : index
    %get3A_0 = arith.constant 0 : index
    %get3A_1 = arith.constant 0 : index
    %get3A_2 = vector.load %arg3[%get3A, %get3A_0, %get3A_1] : memref<1x32x1000xf32, #tpu.memory_space<vmem>>, vector<1x32x1000xf32>
    %get3A_3 = vector.shape_cast %get3A_2 : vector<1x32x1000xf32> to vector<32x1000xf32>
    %reduce_sum3A = arith.constant dense<0.000000e+00> : vector<1000xf32>
    %reduce_sum3A_4 = vector.multi_reduction <add>, %get3A_3, %reduce_sum3A [0] : vector<32x1000xf32> to vector<1000xf32>
    %add3A = arith.constant 1.000000e+00 : f32
    %add3A_5 = vector.broadcast %add3A : f32 to vector<1000xf32>
    %add3A_6 = arith.addf %reduce_sum3A_4, %add3A_5 : vector<1000xf32>
    %rsqrt3A = math.rsqrt %add3A_6 : vector<1000xf32>
    %get3A_7 = arith.constant 0 : index
    %get3A_8 = arith.constant 0 : index
    %get3A_9 = vector.load %arg1[%get3A_7, %get3A_8] : memref<1000x128xf32, #tpu.memory_space<vmem>>, vector<1000x128xf32>
    %get3A_10 = arith.constant 0 : index
    %get3A_11 = arith.constant 0 : index
    %get3A_12 = vector.load %arg2[%get3A_10, %get3A_11] : memref<128x128xf32, #tpu.memory_space<vmem>>, vector<128x128xf32>
    %dot_general3A = arith.constant dense<0.000000e+00> : vector<1000x128xf32>
    %dot_general3A_13 = tpu.matmul %get3A_9, %get3A_12, %dot_general3A {dimension_numbers = #tpu.dot_dimension_numbers<[1], [0], [0], [1], [0, 0, 1, 1], [], []>, transpose_lhs_hint = false} : vector<1000x128xf32>, vector<128x128xf32>, vector<1000x128xf32> -> vector<1000x128xf32>
    %broadcast_in_dim3A = vector.shape_cast %rsqrt3A : vector<1000xf32> to vector<1000x1xf32>
    %mul3A = vector.broadcast %broadcast_in_dim3A : vector<1000x1xf32> to vector<1000x128xf32>
    %mul3A_14 = arith.mulf %dot_general3A_13, %mul3A : vector<1000x128xf32>
    %swap3A = arith.constant 0 : index
    %swap3A_15 = arith.constant 0 : index
    %swap3A_16 = vector.load %arg4[%swap3A, %swap3A_15] : memref<1000x128xf32, #tpu.memory_space<vmem>>, vector<1000x128xf32>
    tpu.vector_store %arg4[%swap3A, %swap3A_15], %mul3A_14 {strides = array<i32>} : memref<1000x128xf32, #tpu.memory_space<vmem>>, vector<1000x128xf32>,
    return
  }
  func.func @transform_0(%arg0: i32) -> (i32, i32) {
    %c0_i32 = arith.constant 0 : i32
    %c0_i32_0 = arith.constant 0 : i32
    return %arg0, %c0_i32 : i32, i32
  }
  func.func @transform_1(%arg0: i32) -> (i32, i32) {
    %c0_i32 = arith.constant 0 : i32
    %c0_i32_0 = arith.constant 0 : i32
    %c0_i32_1 = arith.constant 0 : i32
    return %c0_i32, %c0_i32_0 : i32, i32
  }
  func.func @transform_2(%arg0: i32) -> (i32, i32, i32) {
    %c0_i32 = arith.constant 0 : i32
    %c0_i32_0 = arith.constant 0 : i32
    %c0_i32_1 = arith.constant 0 : i32
    return %arg0, %c0_i32, %c0_i32_0 : i32, i32, i32
  }
  func.func @transform_3(%arg0: i32) -> (i32, i32) {
    %c0_i32 = arith.constant 0 : i32
    %c0_i32_0 = arith.constant 0 : i32
    return %arg0, %c0_i32 : i32, i32
  }
}

module attributes {stable_mosaic.version = 14 : i64} {
  func.func @_mid_body(%arg0: i32, %arg1: memref<2x1000x128xf32, #tpu.memory_space<vmem>>, %arg2: memref<1000x128xf32, #tpu.memory_space<vmem>>, %arg3: memref<1x32x1000xf32, #tpu.memory_space<vmem>>, %arg4: memref<1x128xf32, #tpu.memory_space<vmem>>, %arg5: memref<128x64xf32, #tpu.memory_space<vmem>>, %arg6: memref<1000x64xf32, #tpu.memory_space<vmem>>) attributes {dimension_semantics = [#tpu.dimension_semantics<arbitrary>], iteration_bounds = array<i64: 10>, scalar_prefetch = 0 : i64, scratch_operands = 0 : i64, tpu.core_type = #tpu.core_type<tc>, window_params = [{transform_indices = @transform_0, window_bounds = array<i64: 2, 1000, 128>}, {transform_indices = @transform_1, window_bounds = array<i64: 1000, 128>}, {transform_indices = @transform_2, window_bounds = array<i64: 1, 32, 1000>}, {pipeline_mode = #tpu.pipeline_mode<synchronous>, transform_indices = @transform_3, window_bounds = array<i64: 1, 128>}, {pipeline_mode = #tpu.pipeline_mode<synchronous>, transform_indices = @transform_4, window_bounds = array<i64: 128, 64>}, {transform_indices = @transform_5, window_bounds = array<i64: 1000, 64>}]} {
    %get3A = arith.constant 0 : index
    %get3A_0 = arith.constant 0 : index
    %get3A_1 = arith.constant 0 : index
    %get3A_2 = vector.load %arg3[%get3A, %get3A_0, %get3A_1] : memref<1x32x1000xf32, #tpu.memory_space<vmem>>, vector<1x32x1000xf32>
    %get3A_3 = vector.shape_cast %get3A_2 : vector<1x32x1000xf32> to vector<32x1000xf32>
    %reduce_sum3A = arith.constant dense<0.000000e+00> : vector<1000xf32>
    %reduce_sum3A_4 = vector.multi_reduction <add>, %get3A_3, %reduce_sum3A [0] : vector<32x1000xf32> to vector<1000xf32>
    %add3A = arith.constant 1.000000e+00 : f32
    %add3A_5 = vector.broadcast %add3A : f32 to vector<1000xf32>
    %add3A_6 = arith.addf %reduce_sum3A_4, %add3A_5 : vector<1000xf32>
    %rsqrt3A = math.rsqrt %add3A_6 : vector<1000xf32>
    %get3A_7 = arith.constant 0 : index
    %get3A_8 = arith.constant 0 : index
    %get3A_9 = arith.constant 0 : index
    %get3A_10 = vector.load %arg1[%get3A_7, %get3A_8, %get3A_9] : memref<2x1000x128xf32, #tpu.memory_space<vmem>>, vector<1x1000x128xf32>
    %get3A_11 = vector.shape_cast %get3A_10 : vector<1x1000x128xf32> to vector<1000x128xf32>
    %get3A_12 = arith.constant 1 : index
    %get3A_13 = arith.constant 0 : index
    %get3A_14 = arith.constant 0 : index
    %get3A_15 = vector.load %arg1[%get3A_12, %get3A_13, %get3A_14] : memref<2x1000x128xf32, #tpu.memory_space<vmem>>, vector<1x1000x128xf32>
    %get3A_16 = vector.shape_cast %get3A_15 : vector<1x1000x128xf32> to vector<1000x128xf32>
    %add3A_17 = arith.addf %get3A_11, %get3A_16 : vector<1000x128xf32>
    %get3A_18 = arith.constant 0 : index
    %get3A_19 = arith.constant 0 : index
    %get3A_20 = vector.load %arg2[%get3A_18, %get3A_19] : memref<1000x128xf32, #tpu.memory_space<vmem>>, vector<1000x128xf32>
    %add3A_21 = arith.addf %add3A_17, %get3A_20 : vector<1000x128xf32>
    %broadcast_in_dim3A = vector.shape_cast %rsqrt3A : vector<1000xf32> to vector<1000x1xf32>
    %mul3A = vector.broadcast %broadcast_in_dim3A : vector<1000x1xf32> to vector<1000x128xf32>
    %mul3A_22 = arith.mulf %add3A_21, %mul3A : vector<1000x128xf32>
    %get3A_23 = arith.constant 0 : index
    %get3A_24 = arith.constant 0 : index
    %get3A_25 = vector.load %arg4[%get3A_23, %get3A_24] : memref<1x128xf32, #tpu.memory_space<vmem>>, vector<1x128xf32>
    %add3A_26 = vector.broadcast %get3A_25 : vector<1x128xf32> to vector<1000x128xf32>
    %add3A_27 = arith.addf %mul3A_22, %add3A_26 : vector<1000x128xf32>
    %max3A = arith.constant 0.000000e+00 : f32
    %max3A_28 = vector.broadcast %max3A : f32 to vector<1000x128xf32>
    %max3A_29 = arith.maximumf %add3A_27, %max3A_28 : vector<1000x128xf32>
    %get3A_30 = arith.constant 0 : index
    %get3A_31 = arith.constant 0 : index
    %get3A_32 = vector.load %arg5[%get3A_30, %get3A_31] : memref<128x64xf32, #tpu.memory_space<vmem>>, vector<128x64xf32>
    %dot_general3A = arith.constant dense<0.000000e+00> : vector<1000x64xf32>
    %dot_general3A_33 = tpu.matmul %max3A_29, %get3A_32, %dot_general3A {dimension_numbers = #tpu.dot_dimension_numbers<[1], [0], [0], [1], [0, 0, 1, 1], [], []>, transpose_lhs_hint = false} : vector<1000x128xf32>, vector<128x64xf32>, vector<1000x64xf32> -> vector<1000x64xf32>
    %broadcast_in_dim3A_34 = vector.shape_cast %rsqrt3A : vector<1000xf32> to vector<1000x1xf32>
    %mul3A_35 = vector.broadcast %broadcast_in_dim3A_34 : vector<1000x1xf32> to vector<1000x64xf32>
    %mul3A_36 = arith.mulf %dot_general3A_33, %mul3A_35 : vector<1000x64xf32>
    %swap3A = arith.constant 0 : index
    %swap3A_37 = arith.constant 0 : index
    %swap3A_38 = vector.load %arg6[%swap3A, %swap3A_37] : memref<1000x64xf32, #tpu.memory_space<vmem>>, vector<1000x64xf32>
    tpu.vector_store %arg6[%swap3A, %swap3A_37], %mul3A_36 {strides = array<i32>} : memref<1000x64xf32, #tpu.memory_space<vmem>>, vector<1000x64xf32>,
    return
  }
  func.func @transform_0(%arg0: i32) -> (i32, i32, i32) {
    %c0_i32 = arith.constant 0 : i32
    %c0_i32_0 = arith.constant 0 : i32
    %c0_i32_1 = arith.constant 0 : i32
    return %c0_i32, %arg0, %c0_i32_0 : i32, i32, i32
  }
  func.func @transform_1(%arg0: i32) -> (i32, i32) {
    %c0_i32 = arith.constant 0 : i32
    %c0_i32_0 = arith.constant 0 : i32
    return %arg0, %c0_i32 : i32, i32
  }
  func.func @transform_2(%arg0: i32) -> (i32, i32, i32) {
    %c0_i32 = arith.constant 0 : i32
    %c0_i32_0 = arith.constant 0 : i32
    %c0_i32_1 = arith.constant 0 : i32
    return %arg0, %c0_i32, %c0_i32_0 : i32, i32, i32
  }
  func.func @transform_3(%arg0: i32) -> (i32, i32) {
    %c0_i32 = arith.constant 0 : i32
    %c0_i32_0 = arith.constant 0 : i32
    %c0_i32_1 = arith.constant 0 : i32
    return %c0_i32, %c0_i32_0 : i32, i32
  }
  func.func @transform_4(%arg0: i32) -> (i32, i32) {
    %c0_i32 = arith.constant 0 : i32
    %c0_i32_0 = arith.constant 0 : i32
    %c0_i32_1 = arith.constant 0 : i32
    return %c0_i32, %c0_i32_0 : i32, i32
  }
  func.func @transform_5(%arg0: i32) -> (i32, i32) {
    %c0_i32 = arith.constant 0 : i32
    %c0_i32_0 = arith.constant 0 : i32
    return %arg0, %c0_i32 : i32, i32
  }
}

module attributes {stable_mosaic.version = 14 : i64} {
  func.func @_fin_body(%arg0: i32, %arg1: memref<2x1000x64xf32, #tpu.memory_space<vmem>>, %arg2: memref<1000x64xf32, #tpu.memory_space<vmem>>, %arg3: memref<1x32x1000xf32, #tpu.memory_space<vmem>>, %arg4: memref<1x64xf32, #tpu.memory_space<vmem>>, %arg5: memref<1000x40xf32, #tpu.memory_space<vmem>>) attributes {dimension_semantics = [#tpu.dimension_semantics<arbitrary>], iteration_bounds = array<i64: 10>, scalar_prefetch = 0 : i64, scratch_operands = 0 : i64, tpu.core_type = #tpu.core_type<tc>, window_params = [{transform_indices = @transform_0, window_bounds = array<i64: 2, 1000, 64>}, {transform_indices = @transform_1, window_bounds = array<i64: 1000, 64>}, {transform_indices = @transform_2, window_bounds = array<i64: 1, 32, 1000>}, {pipeline_mode = #tpu.pipeline_mode<synchronous>, transform_indices = @transform_3, window_bounds = array<i64: 1, 64>}, {transform_indices = @transform_4, window_bounds = array<i64: 1000, 40>}]} {
    %get3A = arith.constant 0 : index
    %get3A_0 = arith.constant 0 : index
    %get3A_1 = arith.constant 0 : index
    %get3A_2 = vector.load %arg3[%get3A, %get3A_0, %get3A_1] : memref<1x32x1000xf32, #tpu.memory_space<vmem>>, vector<1x32x1000xf32>
    %get3A_3 = vector.shape_cast %get3A_2 : vector<1x32x1000xf32> to vector<32x1000xf32>
    %reduce_sum3A = arith.constant dense<0.000000e+00> : vector<1000xf32>
    %reduce_sum3A_4 = vector.multi_reduction <add>, %get3A_3, %reduce_sum3A [0] : vector<32x1000xf32> to vector<1000xf32>
    %add3A = arith.constant 1.000000e+00 : f32
    %add3A_5 = vector.broadcast %add3A : f32 to vector<1000xf32>
    %add3A_6 = arith.addf %reduce_sum3A_4, %add3A_5 : vector<1000xf32>
    %rsqrt3A = math.rsqrt %add3A_6 : vector<1000xf32>
    %get3A_7 = arith.constant 0 : index
    %get3A_8 = arith.constant 0 : index
    %get3A_9 = arith.constant 0 : index
    %get3A_10 = vector.load %arg1[%get3A_7, %get3A_8, %get3A_9] : memref<2x1000x64xf32, #tpu.memory_space<vmem>>, vector<1x1000x64xf32>
    %get3A_11 = vector.shape_cast %get3A_10 : vector<1x1000x64xf32> to vector<1000x64xf32>
    %get3A_12 = arith.constant 1 : index
    %get3A_13 = arith.constant 0 : index
    %get3A_14 = arith.constant 0 : index
    %get3A_15 = vector.load %arg1[%get3A_12, %get3A_13, %get3A_14] : memref<2x1000x64xf32, #tpu.memory_space<vmem>>, vector<1x1000x64xf32>
    %get3A_16 = vector.shape_cast %get3A_15 : vector<1x1000x64xf32> to vector<1000x64xf32>
    %add3A_17 = arith.addf %get3A_11, %get3A_16 : vector<1000x64xf32>
    %get3A_18 = arith.constant 0 : index
    %get3A_19 = arith.constant 0 : index
    %get3A_20 = vector.load %arg2[%get3A_18, %get3A_19] : memref<1000x64xf32, #tpu.memory_space<vmem>>, vector<1000x64xf32>
    %add3A_21 = arith.addf %add3A_17, %get3A_20 : vector<1000x64xf32>
    %broadcast_in_dim3A = vector.shape_cast %rsqrt3A : vector<1000xf32> to vector<1000x1xf32>
    %mul3A = vector.broadcast %broadcast_in_dim3A : vector<1000x1xf32> to vector<1000x64xf32>
    %mul3A_22 = arith.mulf %add3A_21, %mul3A : vector<1000x64xf32>
    %get3A_23 = arith.constant 0 : index
    %get3A_24 = arith.constant 0 : index
    %get3A_25 = vector.load %arg4[%get3A_23, %get3A_24] : memref<1x64xf32, #tpu.memory_space<vmem>>, vector<1x64xf32>
    %add3A_26 = vector.broadcast %get3A_25 : vector<1x64xf32> to vector<1000x64xf32>
    %add3A_27 = arith.addf %mul3A_22, %add3A_26 : vector<1000x64xf32>
    %iota3A = tpu.iota {dimensions = array<i32: 1>} : vector<1000x64xi32>
    %lt3A = arith.constant 40 : i32
    %lt3A_28 = vector.broadcast %lt3A : i32 to vector<1000x64xi32>
    %lt3A_29 = arith.cmpi slt, %iota3A, %lt3A_28 : vector<1000x64xi32>
    %jit3A = arith.constant -1.000000e+30 : f32
    %broadcast_in_dim3A_30 = vector.broadcast %jit3A : f32 to vector<1000x64xf32>
    %select_n3A = arith.select %lt3A_29, %add3A_27, %broadcast_in_dim3A_30 : vector<1000x64xi1>, vector<1000x64xf32>
    %reduce_max3A = arith.constant dense<0xFF800000> : vector<1000xf32>
    %reduce_max3A_31 = vector.multi_reduction <maximumf>, %select_n3A, %reduce_max3A [1] : vector<1000x64xf32> to vector<1000xf32>
    %broadcast_in_dim3A_32 = vector.shape_cast %reduce_max3A_31 : vector<1000xf32> to vector<1000x1xf32>
    %sub3A = vector.broadcast %broadcast_in_dim3A_32 : vector<1000x1xf32> to vector<1000x64xf32>
    %sub3A_33 = arith.subf %select_n3A, %sub3A : vector<1000x64xf32>
    %exp3A = math.exp %sub3A_33 : vector<1000x64xf32>
    %reduce_sum3A_34 = arith.constant dense<0.000000e+00> : vector<1000xf32>
    %reduce_sum3A_35 = vector.multi_reduction <add>, %exp3A, %reduce_sum3A_34 [1] : vector<1000x64xf32> to vector<1000xf32>
    %broadcast_in_dim3A_36 = vector.shape_cast %reduce_sum3A_35 : vector<1000xf32> to vector<1000x1xf32>
    %log3A = math.log %broadcast_in_dim3A_36 : vector<1000x1xf32>
    %add3A_37 = arith.addf %log3A, %broadcast_in_dim3A_32 : vector<1000x1xf32>
    %sub3A_38 = vector.broadcast %add3A_37 : vector<1000x1xf32> to vector<1000x64xf32>
    %sub3A_39 = arith.subf %select_n3A, %sub3A_38 : vector<1000x64xf32>
    %slice3A = vector.extract_strided_slice %sub3A_39 {offsets = [0, 0], sizes = [1000, 40], strides = [1, 1]} : vector<1000x64xf32> to vector<1000x40xf32>
    %swap3A = arith.constant 0 : index
    %swap3A_40 = arith.constant 0 : index
    %swap3A_41 = vector.load %arg5[%swap3A, %swap3A_40] : memref<1000x40xf32, #tpu.memory_space<vmem>>, vector<1000x40xf32>
    tpu.vector_store %arg5[%swap3A, %swap3A_40], %slice3A {strides = array<i32>} : memref<1000x40xf32, #tpu.memory_space<vmem>>, vector<1000x40xf32>,
    return
  }
  func.func @transform_0(%arg0: i32) -> (i32, i32, i32) {
    %c0_i32 = arith.constant 0 : i32
    %c0_i32_0 = arith.constant 0 : i32
    %c0_i32_1 = arith.constant 0 : i32
    return %c0_i32, %arg0, %c0_i32_0 : i32, i32, i32
  }
  func.func @transform_1(%arg0: i32) -> (i32, i32) {
    %c0_i32 = arith.constant 0 : i32
    %c0_i32_0 = arith.constant 0 : i32
    return %arg0, %c0_i32 : i32, i32
  }
  func.func @transform_2(%arg0: i32) -> (i32, i32, i32) {
    %c0_i32 = arith.constant 0 : i32
    %c0_i32_0 = arith.constant 0 : i32
    %c0_i32_1 = arith.constant 0 : i32
    return %arg0, %c0_i32, %c0_i32_0 : i32, i32, i32
  }
  func.func @transform_3(%arg0: i32) -> (i32, i32) {
    %c0_i32 = arith.constant 0 : i32
    %c0_i32_0 = arith.constant 0 : i32
    %c0_i32_1 = arith.constant 0 : i32
    return %c0_i32, %c0_i32_0 : i32, i32
  }
  func.func @transform_4(%arg0: i32) -> (i32, i32) {
    %c0_i32 = arith.constant 0 : i32
    %c0_i32_0 = arith.constant 0 : i32
    return %arg0, %c0_i32 : i32, i32
  }
}

</mosaic_0001>

<sc_bundles>
// kernel: kernel.11.cloned.1.call-start
scs
__scs_entry_jumppad:
0x0: {  	(pc) =	sbr.rel $0x88, $3  }
0x1: {  	(tag) =	ssettag $0x0;
	lr =	simm.s32 $0x1  }
0x2: {  	[smem:$0x3F9B] =	sst lr;
	_ =	strace $0xD0000000  }
0x3: {  	_ = 	snop  }
0x4: {  	_ = 	snop  }
0x5: {  	_ = 	snop  }
0x6: {  	_ = 	snop  }
0x7: {  	_ = 	snop  }
__scs_overlays_trampoline_lowered:
0x8: {  	[smem:$0x3FAA] =	sst s0  }
0x9: {  	[smem:$0x3FAB] =	sst s1  }
0xa: {  	[smem:$0x3FAC] =	sst s2  }
0xb: {  	[smem:$0x3FAD] =	sst s3  }
0xc: {  	[smem:$0x3FAE] =	sst s4  }
0xd: {  	[smem:$0x3FAF] =	sst s5  }
0xe: {  	[smem:$0x3FB0] =	sst s6  }
0xf: {  	[smem:$0x3FB1] =	sst s7  }
0x10: {  	[smem:$0x3FB2] =	sst s8  }
0x11: {  	[smem:$0x3FB3] =	sst s9;
	s0 =	simm.s32 @!p0 $0x0  }
0x12: {  	s1 =	sld [smem:$0x3F99];
	s0 =	simm.s32 @p0 $0x1  }
0x13: {  	[smem:$0x3FB4] =	sst s0;
	s0 =	simm.s32 @!p1 $0x0  }
0x14: {  	s2 =	sld [smem:$0x3F98];
	s0 =	simm.s32 @p1 $0x1  }
0x15: {  	[smem:$0x3FB5] =	sst s0;
	s0 =	simm.s32 @!p2 $0x0  }
0x16: {  	s3 =	sld [smem:$0x3FDB];
	s0 =	simm.s32 @p2 $0x1  }
0x17: {  	s4 =	simm.s32 $0x1BF5;
	[smem:$0x3FB7] =	sst s0  }
0x18: {  	s0 =	sld [smem:$0x3F9A];
	_ =	swait.ge [sflag:s4], $0x0  }
0x19: {  	s7 =	sld [smem:$0x3F9B]  }
0x1a: {  	s8 =	sadd.s32 $0xFFFFE003, lr  }
0x1b: {  	s9 =	sadd.s32 $0xFFFFFEF7, lr;
	s5 =	simm.s32 $0xFFFFFFFF;
	p2 =	slt.u32 s8, $0xFFFFF086  }
0x1c: {  	p1 =	slt.u32 s9, $0xF7A;
	s5 =	simm.s32 @!p2 $0x0  }
0x1d: {  	s5 =	simm.s32 @p1 $0x1;
	p0 =	seq.s32 s7, s2  }
0x1e: {  	s7 =	smul.u32 @!p0 $0xF7A, s2;
	p2 =	seq.s32 @!p0 s5, $0x0  }
0x1f: {  	s9 =	smul.u32 $0xF7A, s1;
	s8 =	simm.s32 @!p0 $0x1BF5;
	p2 =	por !p2, p0  }
0x20: {  	[sflag:s8] =	ssyncset.s32 @!p0 $0xFFFFF086;
	s6 =	sadd.s32 @!p0 s3, s7;
	s7 =	simm.s32 @!p0 $0x108  }
0x21: {  	s3 =	sadd.s32 s3, s9;
	s6 =	sadd.s32 @!p0 $0x88, s6;
	s7 =	simm.s32 @p2 $0x1082  }
0x22: {  	[simem:s7], [sflag:s8] =	dma.local @!p0 [hbm:s6], $0xF7A  }
0x23: {  	s9 =	sor.u32 $0xD0000000, s2;
	s6 =	simm.s32 $0x108;
	_ =	swait.ge @!p0 [sflag:s8], $0x0  }
0x24: {  	s3 =	sadd.s32 $0x88, s3;
	s6 =	simm.s32 @!p1 $0x1082;
	[sflag:s4] =	ssyncset.s32 $0xFFFFF086  }
0x25: {  	[simem:s6], [sflag:s4] =	dma.local [hbm:s3], $0xF7A  }
0x26: {  	[smem:$0x3F9B] =	sst s1;
	(tag) =	ssettag s2;
	_ =	strace s9  }
0x27: {  	s1 =	sld [smem:$0x3FAB]  }
0x28: {  	s2 =	sld [smem:$0x3FAC]  }
0x29: {  	s4 =	sld [smem:$0x3FAE]  }
0x2a: {  	p0 =	seq.s32 s5, $0x0;
	s5 =	sld [smem:$0x3FAF]  }
0x2b: {  	s6 =	sld [smem:$0x3FB0]  }
0x2c: {  	s7 =	sld [smem:$0x3FB1]  }
0x2d: {  	s3 =	simm.s32 $0x108;
	s8 =	sld [smem:$0x3FB2]  }
0x2e: {  	s3 =	simm.s32 @!p0 $0x1082;
	s9 =	sld [smem:$0x3FB3]  }
0x2f: {  	lr =	sadd.s32 s0, s3;
	s0 =	sld [smem:$0x3FAA]  }
0x30: {  	s3 =	sld [smem:$0x3FAD]  }
0x31: {  	[smem:$0x3FB6] =	sst s10  }
0x32: {  	s10 =	sld [smem:$0x3FB4];
	_ =	sdelay $0x3  }
0x33: {  	p0 =	seq.s32 s10, $0x1;
	s10 =	sld [smem:$0x3FB6];
	_ =	sdelay $0x3  }
0x34: {  	[smem:$0x3FB6] =	sst s10  }
0x35: {  	s10 =	sld [smem:$0x3FB5];
	_ =	sdelay $0x3  }
0x36: {  	p1 =	seq.s32 s10, $0x1;
	s10 =	sld [smem:$0x3FB6];
	_ =	sdelay $0x3  }
0x37: {  	[smem:$0x3FB6] =	sst s10  }
0x38: {  	s10 =	sld [smem:$0x3FB7]  }
0x39: {  	_ = 	snop;
	(pc) =	sbr.ind lr, $3  }
0x3a: {  	_ = 	snop  }
0x3b: {  	_ = 	snop  }
0x3c: {  	p2 =	seq.s32 s10, $0x1;
	s10 =	sld [smem:$0x3FB6]  }
0x3d: {  	_ =	shalt  }
0x3e: {  	_ =	shalt  }
0x3f: {  	_ =	shalt  }
0x40: {  	_ =	shalt  }
0x41: {  	_ =	shalt  }
0x42: {  	_ =	shalt  }
0x43: {  	_ =	shalt  }
0x44: {  	_ =	shalt  }
0x45: {  	_ =	shalt  }
0x46: {  	_ =	shalt  }
0x47: {  	_ =	shalt  }
0x48: {  	_ =	shalt  }
0x49: {  	_ =	shalt  }
0x4a: {  	_ =	shalt  }
0x4b: {  	_ =	shalt  }
0x4c: {  	_ =	shalt  }
0x4d: {  	_ =	shalt  }
0x4e: {  	_ =	shalt  }
0x4f: {  	_ =	shalt  }
0x50: {  	_ =	shalt  }
0x51: {  	_ =	shalt  }
0x52: {  	_ =	shalt  }
0x53: {  	_ =	shalt  }
0x54: {  	_ =	shalt  }
0x55: {  	_ =	shalt  }
0x56: {  	_ =	shalt  }
0x57: {  	_ =	shalt  }
0x58: {  	_ =	shalt  }
0x59: {  	_ =	shalt  }
0x5a: {  	_ =	shalt  }
0x5b: {  	_ =	shalt  }
0x5c: {  	_ =	shalt  }
0x5d: {  	_ =	shalt  }
0x5e: {  	_ =	shalt  }
0x5f: {  	_ =	shalt  }
0x60: {  	_ =	shalt  }
0x61: {  	_ =	shalt  }
0x62: {  	_ =	shalt  }
0x63: {  	_ =	shalt  }
0x64: {  	_ =	shalt  }
0x65: {  	_ =	shalt  }
0x66: {  	_ =	shalt  }
0x67: {  	_ =	shalt  }
0x68: {  	_ =	shalt  }
0x69: {  	_ =	shalt  }
0x6a: {  	_ =	shalt  }
0x6b: {  	_ =	shalt  }
0x6c: {  	_ =	shalt  }
0x6d: {  	_ =	shalt  }
0x6e: {  	_ =	shalt  }
0x6f: {  	_ =	shalt  }
0x70: {  	_ =	shalt  }
0x71: {  	_ =	shalt  }
0x72: {  	_ =	shalt  }
0x73: {  	_ =	shalt  }
0x74: {  	_ =	shalt  }
0x75: {  	_ =	shalt  }
0x76: {  	_ =	shalt  }
0x77: {  	_ =	shalt  }
0x78: {  	_ =	shalt  }
0x79: {  	_ =	shalt  }
0x7a: {  	_ =	shalt  }
0x7b: {  	_ =	shalt  }
0x7c: {  	_ =	shalt  }
0x7d: {  	_ =	shalt  }
0x7e: {  	_ =	shalt  }
0x7f: {  	_ =	shalt  }
0x80: {  	_ =	shalt  }
0x81: {  	_ =	shalt  }
0x82: {  	_ =	shalt  }
0x83: {  	_ =	shalt  }
0x84: {  	_ =	shalt  }
0x85: {  	_ =	shalt  }
0x86: {  	_ =	shalt  }
0x87: {  	_ =	shalt  }
.Lfunc_end0:
.L_simem_size_0:
called_computation.1_lowered:
.L_overlay_start_0:
0x88: {  	s2 =	sld [smem:$0x3FD9]  }
0x89: {  	s3 =	sld [smem:$0x3FFE];
	_ =	sdelay $0x1  }
0x8a: {  	s1 =	srdreg.scid  }
0x8b: {  	s0 =	sand.u32 $0x1, s1  }
0x8c: {  	s17 =	sshll.u32 s0, $0xA;
	s2 =	sadd.s32 s3, s2  }
0x8d: {  	s2 =	sadd.s32 s2, s17  }
0x8e: {  	[smem:$0x3FC2] =	sst s2  }
0x8f: {  	_ = 	snop  }
0x90: {  	s2 =	sld [smem:$0x3FD0];
	(tm) =	ssettm $0x1  }
0x91: {  	s18 =	sld [smem:$0x3FFB];
	_ =	sdelay $0x3  }
0x92: {  	_ =	strace s18  }
0x93: {  	s3 =	sld [smem:$0x3FFC];
	_ =	sdelay $0x3  }
0x94: {  	_ =	strace s3  }
0x95: {  	s3 =	sld [smem:$0x3FFD];
	_ =	sdelay $0x3  }
0x96: {  	_ =	strace s3  }
0x97: {  	_ =	strace $0x8FFFFFFF  }
0x98: {  	s19 =	sld [smem:$0x3FDB];
	_ =	sdelay $0x1  }
0x99: {  	s4 =	simm.s32 $_scs_section_size  }
0x9a: {  	s5 =	simm.s32 $_size__tile_overlayer_lowered;
	s6 =	simm.s32 $_tile_overlayer_lowered  }
0x9b: {  	s22 =	simm.s32 $0x1BFF;
	s21 =	sshll.u32 s6, $0x1;
	s3 =	sadd.s32 s4, s19  }
0x9c: {  	s7 =	simm.s32 $0x0;
	s20 =	sshll.u32 s5, $0x1;
	s5 =	sadd.s32 s21, s3  }
0x9d: {  	[timem:s7], [sflag:s22] =	dma.local [hbm:s5], s20  }
0x9e: {  	_ =	swait.ge [sflag:s22], s20  }
0x9f: {  	s4 =	ssub.s32 $0x0, s20;
	[sflag:s22] =	ssyncset.done $0x0  }
0xa0: {  	[sflag:s22] =	ssyncadd.s32 s4;
	_ =	sdelay $0x1  }
0xa1: {  	s23 =	simm.s32 $0x1B8B  }
0xa2: {  	_ =	swait.ge [sflag:s23], $0x1  }
0xa3: {  	[sflag:s23] =	ssyncset.done $0x0  }
0xa4: {  	s25 =	simm.s32 $0x1B8E;
	s24 =	sld [smem:$0x3FFE];
	[sflag:s23] =	ssyncadd.s32 $0xFFFFFFFF  }
0xa5: {  	s26 =	simm.s32 $execute0_lowered;
	[smem:$0x3FD2] =	sst s25  }
0xa6: {  	s5 =	sshll.u32 s26, $0x1;
	_ =	strace $0x80000049;
	[dreg:$0x1] =	wrdreg $0xFFFFFFFF  }
0xa7: {  	s28 =	simm.s32 $_size_execute0_lowered;
	s3 =	sadd.s32 s3, s5;
	[dreg:$0x0] =	wrdreg $0x0  }
0xa8: {  	s5 =	sshll.u32 s28, $0x1;
	[dreg:$0x2] =	wrdreg s3  }
0xa9: {  	[dreg:$0x3] =	wrdreg s5  }
0xaa: {  	[dreg:$0x4] =	wrdreg $0xC0  }
0xab: {  	_ =	task [dreg:s7], $0x5FFFF  }
0xac: {  	[dreg:$0x1] =	wrdreg $0xFFFFFFFF  }
0xad: {  	[dreg:$0x0] =	wrdreg $0x60  }
0xae: {  	[dreg:$0x2] =	wrdreg s24  }
0xaf: {  	[dreg:$0x3] =	wrdreg s2  }
0xb0: {  	[dreg:$0x4] =	wrdreg $0x9E200  }
0xb1: {  	[dreg:$0x5] =	wrdreg $0x9  }
0xb2: {  	_ =	task.clear_ibuf [dreg:s7], $0x6FFFF;
	_ =	strace $0x90000049  }
0xb3: {  	s29 =	simm.s32 $0x9;
	_ =	strace $0x8000004B  }
0xb4: {  	_ =	swait.ge [sflag:s29], $0x1  }
0xb5: {  	[sflag:s29] =	ssyncadd.s32 $0xFFFFFFFF  }
0xb6: {  	_ =	strace $0x9000004B  }
0xb7: {  	_ =	sfence  }
0xb8: {  	s30 =	sld [smem:$0x0];
	_ =	sdelay $0x2  }
0xb9: {  	s31 =	sshll.u32 s1, $0xD;
	s1 =	sshrl.u32 s1, $0x2  }
0xba: {  	s3 =	sand.u32 $0x4000, s31;
	s1 =	sadd.s32 s1, s30  }
0xbb: {  	s0 =	sor.u32 s3, s0;
	s1 =	sshll.u32 s1, $0x11  }
0xbc: {  	s0 =	sor.u32 s1, s0  }
0xbd: {  	s0 =	sadd.s32 $0x8F2B, s0  }
0xbe: {  	[sflag:s0] =	ssyncadd.remote.s32 $0x1  }
0xbf: {  	_ =	sfence.sel $0xFFFF  }
0xc0: {  	[dreg:$0x0] =	wrdreg $0xFFFFFFFF;
	(pc) =	sbr.abs _section_cstart, $3  }
0xc1: {  	[dreg:$0x1] =	wrdreg $0xFFFFFFFF  }
0xc2: {  	_ =	task.clear_ibuf [dreg:s7], $0x2FFFF;
	_ =	strace $0x9FFFFFFF  }
0xc3: {  	(tm) =	ssettm $0x7FFFFFFF  }
tec
execute0_lowered:
.L_overlay_start_1:
0x0: {  	(tag) =	ssettag $0x1  }
0x1: {  	s6 =	rddreg [dreg:$0x0]  }
0x2: {  	s7 =	rddreg [dreg:$0x1];
	s0 =	srdreg.scid  }
0x3: {  	s2 =	rddreg [dreg:$0x2];
	s1 =	stileid.u32  }
0x4: {  	s3 =	simm.s32 $0x0;
	s14 =	simm.s32 $0x50;
	s15 =	simm.s32 $0x4E20  }
0x5: {  	s16 =	simm.s32 $0x1;
	s17 =	simm.s32 $0x7620;
	s18 =	simm.s32 $0x2  }
0x6: {  	s19 =	simm.s32 $0x4DD0;
	s5 =	sand.u32 $0x1, s0;
	s0 =	rddreg [dreg:$0x3]  }
0x7: {  	s20 =	simm.s32 $0x0;
	s8 =	smul.u32 $0x13880, s1;
	[smem:$0x7FF] =	sst s3  }
0x8: {  	s31 =	sshll.u32 s1, $0x6;
	s4 =	sshll.u32 s5, $0x4;
	s9 =	smul.u32 $0x138800, s5  }
0x9: {  	_ =	strace $0x8000004A;
	s12 =	ssub.s32 $0x2, s5;
	s5 =	sadd.s32 $0x32A00, s6  }
0xa: {  	s4 =	sor.u32 s1, s4;
	s30 =	sshrl.u32 s12, $0x1;
	s13 =	sadd.s32 s8, s2  }
0xb: {  	s10 =	smul.u32 $0x4E2, s4;
	s4 =	sadd.s32 $0xB800, s6;
	s9 =	sadd.s32 s8, s9  }
0xc: {  	s12 =	ssub.s32 s12, s30;
	s13 =	sshrl.u32 s13, $0x3;
	s9 =	sshrl.u32 s9, $0x3  }
0xd: {  	s11 =	sadd.s32 s10, s6;
	s9 =	sadd.s32 s9, s6;
	s6 =	sadd.s32 s7, s10  }
0xe: {  	s10 =	simm.s32 $0x3;
	s7 =	sadd.s32 $0x1A00, s11;
	s8 =	sadd.s32 $0x35200, s9  }
0xf: {  	s9 =	smax.u32 s12, $0x1;
	s11 =	simm.s32 $0x2710;
	s12 =	sor.u32 $0x1C03, s31  }
.LBB2_1:
0x10: {  	[tilespmem:s3], [sflag:$0x3] =	stream.linear.gather [hbm4b:s6+s3], $0x2710, $0x38;
	[tilespmem:$0x1D6A0] =	vst v63  }
0x11: {  	_ =	swait.ge [sflag:s10], $0x2710  }
0x12: {  	[sflag:s10] =	ssyncset.done $0x0  }
0x13: {  	[sflag:s10] =	ssyncadd.s32 $0xFFFFD8F0  }
0x14: {  	[tilespmem:s11], [sflag:$0x3] =	stream.linear.gather [hbm4b:s7+s3], $0x2710, $0x38;
	[tilespmem:$0x1D6A0] =	vst v63  }
0x15: {  	_ =	swait.ge [sflag:s10], $0x2710  }
0x16: {  	[sflag:s10] =	ssyncset.done $0x0  }
0x17: {  	[sflag:s10] =	ssyncadd.s32 $0xFFFFD8F0  }
0x18: {  	[spmem:s13], [sflag:s12] =	dma.local [hbm:s5], $0x2710  }
0x19: {  	_ =	swait.ge [sflag:s10], $0x2710  }
0x1a: {  	[sflag:s10] =	ssyncset.done $0x0  }
0x1b: {  	[sflag:s10] =	ssyncadd.s32 $0xFFFFD8F0  }
0x1c: {  	[bflag:$0x0] =	sbarrier.arrive $0xFFFF  }
0x1d: {  	[tilespmem:s15], [sflag:$0x1] =	stream.indirect.gather [hbm4b:s4+s14], $0x80, s3, s14, $0xb8;
	[tilespmem:$0x1D6A0] =	vst v63  }
0x1e: {  	_ =	swait.ge [sflag:s16], $0x2800  }
0x1f: {  	[sflag:s16] =	ssyncset.done $0x0  }
0x20: {  	s21 =	simm.s32 $0x50;
	[sflag:s16] =	ssyncadd.s32 $0xFFFFD800  }
0x21: {  	[tilespmem:s17], [sflag:$0x2] =	stream.indirect.gather [hbm4b:s4+s14], $0x80, s21, s14, $0xb8;
	[tilespmem:$0x1D6A0] =	vst v63  }
0x22: {  	s29 =	simm.s32 $0x2710  }
0x23: {  	[spmem:s2] =	stream.indirect.scatter.add.f32 [tilespmem:s15], [sflag:$0x3], $0x80, s29, s14, $0xb8;
	[tilespmem:$0x1D6A0] =	vst v63  }
0x24: {  	_ =	swait.ge [sflag:s10], $0x2800  }
0x25: {  	[sflag:s10] =	ssyncset.done $0x0  }
0x26: {  	[sflag:s10] =	ssyncadd.s32 $0xFFFFD800  }
0x27: {  	_ =	swait.ge [sflag:s18], $0x2800  }
0x28: {  	[sflag:s18] =	ssyncset.done $0x0  }
0x29: {  	s30 =	simm.s32 $0xA0;
	[sflag:s18] =	ssyncadd.s32 $0xFFFFD800  }
0x2a: {  	[tilespmem:s15], [sflag:$0x1] =	stream.indirect.gather [hbm4b:s4+s14], $0x80, s30, s14, $0xb8;
	[tilespmem:$0x1D6A0] =	vst v63  }
0x2b: {  	s31 =	simm.s32 $0x2760  }
0x2c: {  	[spmem:s2] =	stream.indirect.scatter.add.f32 [tilespmem:s17], [sflag:$0x3], $0x80, s31, s14, $0xb8;
	[tilespmem:$0x1D6A0] =	vst v63  }
0x2d: {  	_ =	swait.ge [sflag:s10], $0x2800  }
0x2e: {  	s21 =	simm.s32 $0x280;
	[sflag:s10] =	ssyncset.done $0x0  }
.LBB2_2:
0x2f: {  	p0 =	sne.s32 s21, $0x9880  }
0x30: {  	[sflag:s10] =	ssyncadd.s32 $0xFFFFD800;
	s22 =	smov.u32 s21;
	s21 =	sadd.s32 $0x280, s21  }
0x31: {  	_ = 	snop  }
0x32: {  	_ =	swait.ge [sflag:s16], $0x2800  }
0x33: {  	s22 =	sshra.s32 s22, $0x2;
	[sflag:s16] =	ssyncset.done $0x0  }
0x34: {  	s23 =	sadd.s32 $0x50, s22;
	[sflag:s16] =	ssyncadd.s32 $0xFFFFD800  }
0x35: {  	[tilespmem:s17], [sflag:$0x2] =	stream.indirect.gather [hbm4b:s4+s14], $0x80, s23, s14, $0xb8;
	[tilespmem:$0x1D6A0] =	vst v63  }
0x36: {  	s23 =	sadd.s32 $0x2710, s22  }
0x37: {  	[spmem:s2] =	stream.indirect.scatter.add.f32 [tilespmem:s15], [sflag:$0x3], $0x80, s23, s14, $0xb8;
	[tilespmem:$0x1D6A0] =	vst v63  }
0x38: {  	_ =	swait.ge [sflag:s10], $0x2800  }
0x39: {  	[sflag:s10] =	ssyncset.done $0x0  }
0x3a: {  	[sflag:s10] =	ssyncadd.s32 $0xFFFFD800  }
0x3b: {  	_ =	swait.ge [sflag:s18], $0x2800  }
0x3c: {  	[sflag:s18] =	ssyncset.done $0x0  }
0x3d: {  	s23 =	sadd.s32 $0xA0, s22;
	[sflag:s18] =	ssyncadd.s32 $0xFFFFD800  }
0x3e: {  	[tilespmem:s15], [sflag:$0x1] =	stream.indirect.gather [hbm4b:s4+s14], $0x80, s23, s14, $0xb8;
	[tilespmem:$0x1D6A0] =	vst v63  }
.Ltmp0:
0x3f: {  	_ = 	snop;
	(pc) =	sbr.rel @p0 .LBB2_2-.Ltmp0, $4  }
0x40: {  	s22 =	sadd.s32 $0x2760, s22  }
0x41: {  	[spmem:s2] =	stream.indirect.scatter.add.f32 [tilespmem:s17], [sflag:$0x3], $0x80, s22, s14, $0xb8;
	[tilespmem:$0x1D6A0] =	vst v63  }
0x42: {  	_ =	swait.ge [sflag:s10], $0x2800  }
0x43: {  	[sflag:s10] =	ssyncset.done $0x0  }
0x44: {  	[sflag:s10] =	ssyncadd.s32 $0xFFFFD800  }
0x45: {  	_ =	swait.ge [sflag:s16], $0x2800  }
0x46: {  	[sflag:s16] =	ssyncset.done $0x0  }
0x47: {  	[sflag:s16] =	ssyncadd.s32 $0xFFFFD800  }
0x48: {  	[spmem:s2] =	stream.indirect.scatter.add.f32 [tilespmem:s15], [sflag:$0x3], $0x80, s19, s14, $0xb8;
	[tilespmem:$0x1D6A0] =	vst v63  }
0x49: {  	_ =	swait.ge [sflag:s10], $0x2800  }
0x4a: {  	s20 =	sadd.s32 $0x1, s20;
	[sflag:s10] =	ssyncset.done $0x0  }
0x4b: {  	p0 =	sne.s32 s20, s9;
	[sflag:s10] =	ssyncadd.s32 $0xFFFFD800  }
.Ltmp1:
0x4c: {  	[bflag:$0x0] =	sbarrier.arrive $0xFFFF;
	(pc) =	sbr.rel @p0 .LBB2_1-.Ltmp1, $4  }
0x4d: {  	[hbm:s8], [sflag:s12] =	dma.local [spmem:s13], $0x2710  }
0x4e: {  	_ =	swait.ge [sflag:s10], $0x2710  }
0x4f: {  	[sflag:s10] =	ssyncset.done $0x0  }
0x50: {  	[sflag:s10] =	ssyncadd.s32 $0xFFFFD8F0  }
0x51: {  	_ =	sfence.sel $0x180000  }
0x52: {  	[bflag:$0x0] =	sbarrier.arrive $0xFFFF  }
0x53: {  	p0 =	sne.s32 s1, $0x0;
	_ =	strace $0x9000004A  }
0x54: {  	s0 =	sadd.s32 @!p0 $0x100000, s0;
	[bflag:$0x2] =	sbarrier.arrive $0xFFFF  }
0x55: {  	[sflag:s0] =	ssyncadd.tile.s32 @!p0 $0x1;
	_ =	shalt  }
.Lfunc_end2:
_tile_overlayer_lowered:
.L_overlay_start_2:
0x56: {  	(tag) =	ssettag $0x2  }
0x57: {  	s0 =	rddreg [dreg:$0x0];
	s2 =	stileid.u32  }
0x58: {  	s1 =	rddreg [dreg:$0x1];
	p0 =	sne.s32 s2, $0x0  }
0x59: {  	s3 =	rddreg [dreg:$0x2];
	[bflag:$0x3] =	sbarrier.arrive $0xFFFF;
	s2 =	simm.s32 @!p0 $0x1C03  }
0x5a: {  	[timem:s3], [sflag:s2] =	dma.local @!p0 [hbm:s0], s1  }
0x5b: {  	s0 =	simm.s32 @!p0 $0x3  }
0x5c: {  	_ =	swait.ge @!p0 [sflag:s0], s1  }
0x5d: {  	s1 =	ssub.s32 @!p0 $0x0, s1;
	[sflag:s0] =	ssyncset.done @!p0 $0x0  }
0x5e: {  	[sflag:s0] =	ssyncadd.s32 @!p0 s1  }
0x5f: {  	[bflag:$0x3] =	sbarrier.arrive $0xFFFF  }
0x60: {  	_ =	shalt  }

// kernel: kernel.14.cloned.1.call-start
scs
__scs_entry_jumppad:
0x0: {  	(pc) =	sbr.rel $0x88, $3  }
0x1: {  	(tag) =	ssettag $0x0;
	lr =	simm.s32 $0x1  }
0x2: {  	[smem:$0x3F9B] =	sst lr;
	_ =	strace $0xD0000000  }
0x3: {  	_ = 	snop  }
0x4: {  	_ = 	snop  }
0x5: {  	_ = 	snop  }
0x6: {  	_ = 	snop  }
0x7: {  	_ = 	snop  }
__scs_overlays_trampoline_lowered:
0x8: {  	[smem:$0x3FAA] =	sst s0  }
0x9: {  	[smem:$0x3FAB] =	sst s1  }
0xa: {  	[smem:$0x3FAC] =	sst s2  }
0xb: {  	[smem:$0x3FAD] =	sst s3  }
0xc: {  	[smem:$0x3FAE] =	sst s4  }
0xd: {  	[smem:$0x3FAF] =	sst s5  }
0xe: {  	[smem:$0x3FB0] =	sst s6  }
0xf: {  	[smem:$0x3FB1] =	sst s7  }
0x10: {  	[smem:$0x3FB2] =	sst s8  }
0x11: {  	[smem:$0x3FB3] =	sst s9;
	s0 =	simm.s32 @!p0 $0x0  }
0x12: {  	s1 =	sld [smem:$0x3F99];
	s0 =	simm.s32 @p0 $0x1  }
0x13: {  	[smem:$0x3FB4] =	sst s0;
	s0 =	simm.s32 @!p1 $0x0  }
0x14: {  	s2 =	sld [smem:$0x3F98];
	s0 =	simm.s32 @p1 $0x1  }
0x15: {  	[smem:$0x3FB5] =	sst s0;
	s0 =	simm.s32 @!p2 $0x0  }
0x16: {  	s3 =	sld [smem:$0x3FDB];
	s0 =	simm.s32 @p2 $0x1  }
0x17: {  	s4 =	simm.s32 $0x1BF5;
	[smem:$0x3FB7] =	sst s0  }
0x18: {  	s0 =	sld [smem:$0x3F9A];
	_ =	swait.ge [sflag:s4], $0x0  }
0x19: {  	s7 =	sld [smem:$0x3F9B]  }
0x1a: {  	s8 =	sadd.s32 $0xFFFFE003, lr  }
0x1b: {  	s9 =	sadd.s32 $0xFFFFFEF7, lr;
	s5 =	simm.s32 $0xFFFFFFFF;
	p2 =	slt.u32 s8, $0xFFFFF086  }
0x1c: {  	p1 =	slt.u32 s9, $0xF7A;
	s5 =	simm.s32 @!p2 $0x0  }
0x1d: {  	s5 =	simm.s32 @p1 $0x1;
	p0 =	seq.s32 s7, s2  }
0x1e: {  	s7 =	smul.u32 @!p0 $0xF7A, s2;
	p2 =	seq.s32 @!p0 s5, $0x0  }
0x1f: {  	s9 =	smul.u32 $0xF7A, s1;
	s8 =	simm.s32 @!p0 $0x1BF5;
	p2 =	por !p2, p0  }
0x20: {  	[sflag:s8] =	ssyncset.s32 @!p0 $0xFFFFF086;
	s6 =	sadd.s32 @!p0 s3, s7;
	s7 =	simm.s32 @!p0 $0x108  }
0x21: {  	s3 =	sadd.s32 s3, s9;
	s6 =	sadd.s32 @!p0 $0x88, s6;
	s7 =	simm.s32 @p2 $0x1082  }
0x22: {  	[simem:s7], [sflag:s8] =	dma.local @!p0 [hbm:s6], $0xF7A  }
0x23: {  	s9 =	sor.u32 $0xD0000000, s2;
	s6 =	simm.s32 $0x108;
	_ =	swait.ge @!p0 [sflag:s8], $0x0  }
0x24: {  	s3 =	sadd.s32 $0x88, s3;
	s6 =	simm.s32 @!p1 $0x1082;
	[sflag:s4] =	ssyncset.s32 $0xFFFFF086  }
0x25: {  	[simem:s6], [sflag:s4] =	dma.local [hbm:s3], $0xF7A  }
0x26: {  	[smem:$0x3F9B] =	sst s1;
	(tag) =	ssettag s2;
	_ =	strace s9  }
0x27: {  	s1 =	sld [smem:$0x3FAB]  }
0x28: {  	s2 =	sld [smem:$0x3FAC]  }
0x29: {  	s4 =	sld [smem:$0x3FAE]  }
0x2a: {  	p0 =	seq.s32 s5, $0x0;
	s5 =	sld [smem:$0x3FAF]  }
0x2b: {  	s6 =	sld [smem:$0x3FB0]  }
0x2c: {  	s7 =	sld [smem:$0x3FB1]  }
0x2d: {  	s3 =	simm.s32 $0x108;
	s8 =	sld [smem:$0x3FB2]  }
0x2e: {  	s3 =	simm.s32 @!p0 $0x1082;
	s9 =	sld [smem:$0x3FB3]  }
0x2f: {  	lr =	sadd.s32 s0, s3;
	s0 =	sld [smem:$0x3FAA]  }
0x30: {  	s3 =	sld [smem:$0x3FAD]  }
0x31: {  	[smem:$0x3FB6] =	sst s10  }
0x32: {  	s10 =	sld [smem:$0x3FB4];
	_ =	sdelay $0x3  }
0x33: {  	p0 =	seq.s32 s10, $0x1;
	s10 =	sld [smem:$0x3FB6];
	_ =	sdelay $0x3  }
0x34: {  	[smem:$0x3FB6] =	sst s10  }
0x35: {  	s10 =	sld [smem:$0x3FB5];
	_ =	sdelay $0x3  }
0x36: {  	p1 =	seq.s32 s10, $0x1;
	s10 =	sld [smem:$0x3FB6];
	_ =	sdelay $0x3  }
0x37: {  	[smem:$0x3FB6] =	sst s10  }
0x38: {  	s10 =	sld [smem:$0x3FB7]  }
0x39: {  	_ = 	snop;
	(pc) =	sbr.ind lr, $3  }
0x3a: {  	_ = 	snop  }
0x3b: {  	_ = 	snop  }
0x3c: {  	p2 =	seq.s32 s10, $0x1;
	s10 =	sld [smem:$0x3FB6]  }
0x3d: {  	_ =	shalt  }
0x3e: {  	_ =	shalt  }
0x3f: {  	_ =	shalt  }
0x40: {  	_ =	shalt  }
0x41: {  	_ =	shalt  }
0x42: {  	_ =	shalt  }
0x43: {  	_ =	shalt  }
0x44: {  	_ =	shalt  }
0x45: {  	_ =	shalt  }
0x46: {  	_ =	shalt  }
0x47: {  	_ =	shalt  }
0x48: {  	_ =	shalt  }
0x49: {  	_ =	shalt  }
0x4a: {  	_ =	shalt  }
0x4b: {  	_ =	shalt  }
0x4c: {  	_ =	shalt  }
0x4d: {  	_ =	shalt  }
0x4e: {  	_ =	shalt  }
0x4f: {  	_ =	shalt  }
0x50: {  	_ =	shalt  }
0x51: {  	_ =	shalt  }
0x52: {  	_ =	shalt  }
0x53: {  	_ =	shalt  }
0x54: {  	_ =	shalt  }
0x55: {  	_ =	shalt  }
0x56: {  	_ =	shalt  }
0x57: {  	_ =	shalt  }
0x58: {  	_ =	shalt  }
0x59: {  	_ =	shalt  }
0x5a: {  	_ =	shalt  }
0x5b: {  	_ =	shalt  }
0x5c: {  	_ =	shalt  }
0x5d: {  	_ =	shalt  }
0x5e: {  	_ =	shalt  }
0x5f: {  	_ =	shalt  }
0x60: {  	_ =	shalt  }
0x61: {  	_ =	shalt  }
0x62: {  	_ =	shalt  }
0x63: {  	_ =	shalt  }
0x64: {  	_ =	shalt  }
0x65: {  	_ =	shalt  }
0x66: {  	_ =	shalt  }
0x67: {  	_ =	shalt  }
0x68: {  	_ =	shalt  }
0x69: {  	_ =	shalt  }
0x6a: {  	_ =	shalt  }
0x6b: {  	_ =	shalt  }
0x6c: {  	_ =	shalt  }
0x6d: {  	_ =	shalt  }
0x6e: {  	_ =	shalt  }
0x6f: {  	_ =	shalt  }
0x70: {  	_ =	shalt  }
0x71: {  	_ =	shalt  }
0x72: {  	_ =	shalt  }
0x73: {  	_ =	shalt  }
0x74: {  	_ =	shalt  }
0x75: {  	_ =	shalt  }
0x76: {  	_ =	shalt  }
0x77: {  	_ =	shalt  }
0x78: {  	_ =	shalt  }
0x79: {  	_ =	shalt  }
0x7a: {  	_ =	shalt  }
0x7b: {  	_ =	shalt  }
0x7c: {  	_ =	shalt  }
0x7d: {  	_ =	shalt  }
0x7e: {  	_ =	shalt  }
0x7f: {  	_ =	shalt  }
0x80: {  	_ =	shalt  }
0x81: {  	_ =	shalt  }
0x82: {  	_ =	shalt  }
0x83: {  	_ =	shalt  }
0x84: {  	_ =	shalt  }
0x85: {  	_ =	shalt  }
0x86: {  	_ =	shalt  }
0x87: {  	_ =	shalt  }
.Lfunc_end0:
.L_simem_size_0:
called_computation.2_lowered:
.L_overlay_start_0:
0x88: {  	s2 =	sld [smem:$0x3FD9]  }
0x89: {  	s3 =	sld [smem:$0x3FFE];
	_ =	sdelay $0x1  }
0x8a: {  	s1 =	srdreg.scid  }
0x8b: {  	s0 =	sand.u32 $0x1, s1  }
0x8c: {  	s17 =	sshll.u32 s0, $0xA;
	s2 =	sadd.s32 s3, s2  }
0x8d: {  	s2 =	sadd.s32 s2, s17  }
0x8e: {  	[smem:$0x3FC2] =	sst s2  }
0x8f: {  	_ = 	snop  }
0x90: {  	s2 =	sld [smem:$0x3FD0];
	(tm) =	ssettm $0x1  }
0x91: {  	s18 =	sld [smem:$0x3FFB];
	_ =	sdelay $0x3  }
0x92: {  	_ =	strace s18  }
0x93: {  	s3 =	sld [smem:$0x3FFC];
	_ =	sdelay $0x3  }
0x94: {  	_ =	strace s3  }
0x95: {  	s3 =	sld [smem:$0x3FFD];
	_ =	sdelay $0x3  }
0x96: {  	_ =	strace s3  }
0x97: {  	_ =	strace $0x8FFFFFFF  }
0x98: {  	s19 =	sld [smem:$0x3FDB];
	_ =	sdelay $0x1  }
0x99: {  	s4 =	simm.s32 $_scs_section_size  }
0x9a: {  	s5 =	simm.s32 $_size__tile_overlayer_lowered;
	s6 =	simm.s32 $_tile_overlayer_lowered  }
0x9b: {  	s22 =	simm.s32 $0x1BFF;
	s21 =	sshll.u32 s6, $0x1;
	s3 =	sadd.s32 s4, s19  }
0x9c: {  	s7 =	simm.s32 $0x0;
	s20 =	sshll.u32 s5, $0x1;
	s5 =	sadd.s32 s21, s3  }
0x9d: {  	[timem:s7], [sflag:s22] =	dma.local [hbm:s5], s20  }
0x9e: {  	_ =	swait.ge [sflag:s22], s20  }
0x9f: {  	s4 =	ssub.s32 $0x0, s20;
	[sflag:s22] =	ssyncset.done $0x0  }
0xa0: {  	[sflag:s22] =	ssyncadd.s32 s4;
	_ =	sdelay $0x1  }
0xa1: {  	s23 =	simm.s32 $0x1B8B  }
0xa2: {  	_ =	swait.ge [sflag:s23], $0x1  }
0xa3: {  	[sflag:s23] =	ssyncset.done $0x0  }
0xa4: {  	s25 =	simm.s32 $0x1B8E;
	s24 =	sld [smem:$0x3FFE];
	[sflag:s23] =	ssyncadd.s32 $0xFFFFFFFF  }
0xa5: {  	s26 =	simm.s32 $execute0_lowered;
	[smem:$0x3FD2] =	sst s25  }
0xa6: {  	s5 =	sshll.u32 s26, $0x1;
	_ =	strace $0x8000004C;
	[dreg:$0x1] =	wrdreg $0xFFFFFFFF  }
0xa7: {  	s28 =	simm.s32 $_size_execute0_lowered;
	s3 =	sadd.s32 s3, s5;
	[dreg:$0x0] =	wrdreg $0x0  }
0xa8: {  	s5 =	sshll.u32 s28, $0x1;
	[dreg:$0x2] =	wrdreg s3  }
0xa9: {  	[dreg:$0x3] =	wrdreg s5  }
0xaa: {  	[dreg:$0x4] =	wrdreg $0xC0  }
0xab: {  	_ =	task [dreg:s7], $0x5FFFF  }
0xac: {  	[dreg:$0x1] =	wrdreg $0xFFFFFFFF  }
0xad: {  	[dreg:$0x0] =	wrdreg $0x60  }
0xae: {  	[dreg:$0x2] =	wrdreg s24  }
0xaf: {  	[dreg:$0x3] =	wrdreg s2  }
0xb0: {  	[dreg:$0x4] =	wrdreg $0x76200  }
0xb1: {  	[dreg:$0x5] =	wrdreg $0x112600  }
0xb2: {  	[dreg:$0x6] =	wrdreg $0x9  }
0xb3: {  	_ =	task.clear_ibuf [dreg:s7], $0x7FFFF;
	_ =	strace $0x9000004C  }
0xb4: {  	s29 =	simm.s32 $0x9;
	_ =	strace $0x8000004E  }
0xb5: {  	_ =	swait.ge [sflag:s29], $0x1  }
0xb6: {  	[sflag:s29] =	ssyncadd.s32 $0xFFFFFFFF  }
0xb7: {  	_ =	strace $0x9000004E  }
0xb8: {  	_ =	sfence  }
0xb9: {  	s30 =	sld [smem:$0x0];
	_ =	sdelay $0x2  }
0xba: {  	s31 =	sshll.u32 s1, $0xD;
	s1 =	sshrl.u32 s1, $0x2  }
0xbb: {  	s3 =	sand.u32 $0x4000, s31;
	s1 =	sadd.s32 s1, s30  }
0xbc: {  	s0 =	sor.u32 s3, s0;
	s1 =	sshll.u32 s1, $0x11  }
0xbd: {  	s0 =	sor.u32 s1, s0  }
0xbe: {  	s0 =	sadd.s32 $0x8F2B, s0  }
0xbf: {  	[sflag:s0] =	ssyncadd.remote.s32 $0x1  }
0xc0: {  	_ =	sfence.sel $0xFFFF  }
0xc1: {  	[dreg:$0x0] =	wrdreg $0xFFFFFFFF;
	(pc) =	sbr.abs _section_cstart, $3  }
0xc2: {  	[dreg:$0x1] =	wrdreg $0xFFFFFFFF  }
0xc3: {  	_ =	task.clear_ibuf [dreg:s7], $0x2FFFF;
	_ =	strace $0x9FFFFFFF  }
0xc4: {  	(tm) =	ssettm $0x7FFFFFFF  }
0xc5: {  	_ =	shalt  }
tec
execute0_lowered:
.L_overlay_start_1:
0x0: {  	(tag) =	ssettag $0x1  }
0x1: {  	s6 =	rddreg [dreg:$0x0]  }
0x2: {  	s7 =	rddreg [dreg:$0x1]  }
0x3: {  	s2 =	rddreg [dreg:$0x2];
	s0 =	srdreg.scid  }
0x4: {  	s3 =	rddreg [dreg:$0x3];
	s1 =	stileid.u32;
	s4 =	simm.s32 $0x0  }
0x5: {  	s16 =	simm.s32 $0x50;
	s17 =	simm.s32 $0x4E20;
	s18 =	simm.s32 $0x1  }
0x6: {  	s19 =	simm.s32 $0x6220;
	s20 =	simm.s32 $0x2;
	s21 =	simm.s32 $0x4DD0  }
0x7: {  	s22 =	simm.s32 $0x0;
	s5 =	sand.u32 $0x1, s0;
	s0 =	rddreg [dreg:$0x4]  }
0x8: {  	s8 =	smul.u32 $0x9C40, s1;
	[smem:$0x7FF] =	sst s4;
	s31 =	sshll.u32 s1, $0x6  }
0x9: {  	s9 =	sshll.u32 s5, $0x4;
	s10 =	smul.u32 $0x9C400, s5;
	_ =	strace $0x8000004D  }
0xa: {  	s13 =	ssub.s32 $0x2, s5;
	s5 =	sadd.s32 $0x1F200, s6;
	s9 =	sor.u32 s1, s9  }
0xb: {  	s11 =	sshrl.u32 s8, $0x3;
	s30 =	sshrl.u32 s13, $0x1;
	s14 =	sadd.s32 s8, s2  }
0xc: {  	s15 =	sadd.s32 s8, s3;
	s9 =	smul.u32 $0x4E2, s9;
	s11 =	sadd.s32 s11, s6  }
0xd: {  	s10 =	sadd.s32 s8, s10;
	s13 =	ssub.s32 s13, s30;
	s14 =	sshrl.u32 s14, $0x3  }
0xe: {  	s15 =	sshrl.u32 s15, $0x3;
	s10 =	sshrl.u32 s10, $0x3;
	s8 =	sadd.s32 $0xB800, s11  }
0xf: {  	s11 =	simm.s32 $0x3;
	s12 =	sadd.s32 s9, s6;
	s10 =	sadd.s32 s10, s6  }
0x10: {  	s6 =	sadd.s32 s7, s9;
	s7 =	sadd.s32 $0x1A00, s12;
	s9 =	sadd.s32 $0x20600, s10  }
0x11: {  	s10 =	smax.u32 s13, $0x1;
	s12 =	simm.s32 $0x2710;
	s13 =	sor.u32 $0x1C03, s31  }
.LBB2_1:
0x12: {  	[tilespmem:s4], [sflag:$0x3] =	stream.linear.gather [hbm4b:s6+s4], $0x2710, $0x38;
	[tilespmem:$0x1AEA0] =	vst v63  }
0x13: {  	_ =	swait.ge [sflag:s11], $0x2710  }
0x14: {  	[sflag:s11] =	ssyncset.done $0x0  }
0x15: {  	[sflag:s11] =	ssyncadd.s32 $0xFFFFD8F0  }
0x16: {  	[tilespmem:s12], [sflag:$0x3] =	stream.linear.gather [hbm4b:s7+s4], $0x2710, $0x38;
	[tilespmem:$0x1AEA0] =	vst v63  }
0x17: {  	_ =	swait.ge [sflag:s11], $0x2710  }
0x18: {  	[sflag:s11] =	ssyncset.done $0x0  }
0x19: {  	[sflag:s11] =	ssyncadd.s32 $0xFFFFD8F0  }
0x1a: {  	[spmem:s14], [sflag:s13] =	dma.local [hbm:s5], $0x1388  }
0x1b: {  	_ =	swait.ge [sflag:s11], $0x1388  }
0x1c: {  	[sflag:s11] =	ssyncset.done $0x0  }
0x1d: {  	[sflag:s11] =	ssyncadd.s32 $0xFFFFEC78  }
0x1e: {  	[spmem:s15], [sflag:s13] =	dma.local [hbm:s8], $0x1388  }
0x1f: {  	_ =	swait.ge [sflag:s11], $0x1388  }
0x20: {  	[sflag:s11] =	ssyncset.done $0x0  }
0x21: {  	[sflag:s11] =	ssyncadd.s32 $0xFFFFEC78  }
0x22: {  	[bflag:$0x0] =	sbarrier.arrive $0xFFFF  }
0x23: {  	[tilespmem:s17], [sflag:$0x1] =	stream.indirect.gather [spmem:s3], $0x40, s4, s16, $0xb8;
	[tilespmem:$0x1AEA0] =	vst v63  }
0x24: {  	_ =	swait.ge [sflag:s18], $0x1400  }
0x25: {  	[sflag:s18] =	ssyncset.done $0x0  }
0x26: {  	s23 =	simm.s32 $0x50;
	[sflag:s18] =	ssyncadd.s32 $0xFFFFEC00  }
0x27: {  	[tilespmem:s19], [sflag:$0x2] =	stream.indirect.gather [spmem:s3], $0x40, s23, s16, $0xb8;
	[tilespmem:$0x1AEA0] =	vst v63  }
0x28: {  	s29 =	simm.s32 $0x2710  }
0x29: {  	[spmem:s2] =	stream.indirect.scatter.add.f32 [tilespmem:s17], [sflag:$0x3], $0x40, s29, s16, $0xb8;
	[tilespmem:$0x1AEA0] =	vst v63  }
0x2a: {  	_ =	swait.ge [sflag:s11], $0x1400  }
0x2b: {  	[sflag:s11] =	ssyncset.done $0x0  }
0x2c: {  	[sflag:s11] =	ssyncadd.s32 $0xFFFFEC00  }
0x2d: {  	_ =	swait.ge [sflag:s20], $0x1400  }
0x2e: {  	[sflag:s20] =	ssyncset.done $0x0  }
0x2f: {  	s30 =	simm.s32 $0xA0;
	[sflag:s20] =	ssyncadd.s32 $0xFFFFEC00  }
0x30: {  	[tilespmem:s17], [sflag:$0x1] =	stream.indirect.gather [spmem:s3], $0x40, s30, s16, $0xb8;
	[tilespmem:$0x1AEA0] =	vst v63  }
0x31: {  	s31 =	simm.s32 $0x2760  }
0x32: {  	[spmem:s2] =	stream.indirect.scatter.add.f32 [tilespmem:s19], [sflag:$0x3], $0x40, s31, s16, $0xb8;
	[tilespmem:$0x1AEA0] =	vst v63  }
0x33: {  	_ =	swait.ge [sflag:s11], $0x1400  }
0x34: {  	s23 =	simm.s32 $0x280;
	[sflag:s11] =	ssyncset.done $0x0  }
.LBB2_2:
0x35: {  	p0 =	sne.s32 s23, $0x9880  }
0x36: {  	[sflag:s11] =	ssyncadd.s32 $0xFFFFEC00;
	s24 =	smov.u32 s23;
	s23 =	sadd.s32 $0x280, s23  }
0x37: {  	_ = 	snop  }
0x38: {  	_ =	swait.ge [sflag:s18], $0x1400  }
0x39: {  	s24 =	sshra.s32 s24, $0x2;
	[sflag:s18] =	ssyncset.done $0x0  }
0x3a: {  	s25 =	sadd.s32 $0x50, s24;
	[sflag:s18] =	ssyncadd.s32 $0xFFFFEC00  }
0x3b: {  	[tilespmem:s19], [sflag:$0x2] =	stream.indirect.gather [spmem:s3], $0x40, s25, s16, $0xb8;
	[tilespmem:$0x1AEA0] =	vst v63  }
0x3c: {  	s25 =	sadd.s32 $0x2710, s24  }
0x3d: {  	[spmem:s2] =	stream.indirect.scatter.add.f32 [tilespmem:s17], [sflag:$0x3], $0x40, s25, s16, $0xb8;
	[tilespmem:$0x1AEA0] =	vst v63  }
0x3e: {  	_ =	swait.ge [sflag:s11], $0x1400  }
0x3f: {  	[sflag:s11] =	ssyncset.done $0x0  }
0x40: {  	[sflag:s11] =	ssyncadd.s32 $0xFFFFEC00  }
0x41: {  	_ =	swait.ge [sflag:s20], $0x1400  }
0x42: {  	[sflag:s20] =	ssyncset.done $0x0  }
0x43: {  	s25 =	sadd.s32 $0xA0, s24;
	[sflag:s20] =	ssyncadd.s32 $0xFFFFEC00  }
0x44: {  	[tilespmem:s17], [sflag:$0x1] =	stream.indirect.gather [spmem:s3], $0x40, s25, s16, $0xb8;
	[tilespmem:$0x1AEA0] =	vst v63  }
.Ltmp0:
0x45: {  	_ = 	snop;
	(pc) =	sbr.rel @p0 .LBB2_2-.Ltmp0, $4  }
0x46: {  	s24 =	sadd.s32 $0x2760, s24  }
0x47: {  	[spmem:s2] =	stream.indirect.scatter.add.f32 [tilespmem:s19], [sflag:$0x3], $0x40, s24, s16, $0xb8;
	[tilespmem:$0x1AEA0] =	vst v63  }
0x48: {  	_ =	swait.ge [sflag:s11], $0x1400  }
0x49: {  	[sflag:s11] =	ssyncset.done $0x0  }
0x4a: {  	[sflag:s11] =	ssyncadd.s32 $0xFFFFEC00  }
0x4b: {  	_ =	swait.ge [sflag:s18], $0x1400  }
0x4c: {  	[sflag:s18] =	ssyncset.done $0x0  }
0x4d: {  	[sflag:s18] =	ssyncadd.s32 $0xFFFFEC00  }
0x4e: {  	[spmem:s2] =	stream.indirect.scatter.add.f32 [tilespmem:s17], [sflag:$0x3], $0x40, s21, s16, $0xb8;
	[tilespmem:$0x1AEA0] =	vst v63  }
0x4f: {  	_ =	swait.ge [sflag:s11], $0x1400  }
0x50: {  	s22 =	sadd.s32 $0x1, s22;
	[sflag:s11] =	ssyncset.done $0x0  }
0x51: {  	p0 =	sne.s32 s22, s10;
	[sflag:s11] =	ssyncadd.s32 $0xFFFFEC00  }
.Ltmp1:
0x52: {  	[bflag:$0x0] =	sbarrier.arrive $0xFFFF;
	(pc) =	sbr.rel @p0 .LBB2_1-.Ltmp1, $4  }
0x53: {  	[hbm:s9], [sflag:s13] =	dma.local [spmem:s14], $0x1388  }
0x54: {  	_ =	swait.ge [sflag:s11], $0x1388  }
0x55: {  	[sflag:s11] =	ssyncset.done $0x0  }
0x56: {  	[sflag:s11] =	ssyncadd.s32 $0xFFFFEC78  }
0x57: {  	_ =	sfence.sel $0x180000  }
0x58: {  	[bflag:$0x0] =	sbarrier.arrive $0xFFFF  }
0x59: {  	p0 =	sne.s32 s1, $0x0;
	_ =	strace $0x9000004D  }
0x5a: {  	s0 =	sadd.s32 @!p0 $0x100000, s0;
	[bflag:$0x2] =	sbarrier.arrive $0xFFFF  }
0x5b: {  	[sflag:s0] =	ssyncadd.tile.s32 @!p0 $0x1;
	_ =	shalt  }
.Lfunc_end2:
_tile_overlayer_lowered:
.L_overlay_start_2:
0x5c: {  	(tag) =	ssettag $0x2  }
0x5d: {  	s0 =	rddreg [dreg:$0x0];
	s2 =	stileid.u32  }
0x5e: {  	s1 =	rddreg [dreg:$0x1];
	p0 =	sne.s32 s2, $0x0  }
0x5f: {  	s3 =	rddreg [dreg:$0x2];
	[bflag:$0x3] =	sbarrier.arrive $0xFFFF;
	s2 =	simm.s32 @!p0 $0x1C03  }
0x60: {  	[timem:s3], [sflag:s2] =	dma.local @!p0 [hbm:s0], s1  }
0x61: {  	s0 =	simm.s32 @!p0 $0x3  }
0x62: {  	_ =	swait.ge @!p0 [sflag:s0], s1  }
0x63: {  	s1 =	ssub.s32 @!p0 $0x0, s1;
	[sflag:s0] =	ssyncset.done @!p0 $0x0  }
0x64: {  	[sflag:s0] =	ssyncadd.s32 @!p0 s1  }
0x65: {  	[bflag:$0x3] =	sbarrier.arrive $0xFFFF  }
0x66: {  	_ =	shalt  }

// kernel: kernel.8.cloned.1.call-start
scs
__scs_entry_jumppad:
0x0: {  	(pc) =	sbr.rel $0x88, $3  }
0x1: {  	(tag) =	ssettag $0x0;
	lr =	simm.s32 $0x1  }
0x2: {  	[smem:$0x3F9B] =	sst lr;
	_ =	strace $0xD0000000  }
0x3: {  	_ = 	snop  }
0x4: {  	_ = 	snop  }
0x5: {  	_ = 	snop  }
0x6: {  	_ = 	snop  }
0x7: {  	_ = 	snop  }
__scs_overlays_trampoline_lowered:
0x8: {  	[smem:$0x3FAA] =	sst s0  }
0x9: {  	[smem:$0x3FAB] =	sst s1  }
0xa: {  	[smem:$0x3FAC] =	sst s2  }
0xb: {  	[smem:$0x3FAD] =	sst s3  }
0xc: {  	[smem:$0x3FAE] =	sst s4  }
0xd: {  	[smem:$0x3FAF] =	sst s5  }
0xe: {  	[smem:$0x3FB0] =	sst s6  }
0xf: {  	[smem:$0x3FB1] =	sst s7  }
0x10: {  	[smem:$0x3FB2] =	sst s8  }
0x11: {  	[smem:$0x3FB3] =	sst s9;
	s0 =	simm.s32 @!p0 $0x0  }
0x12: {  	s1 =	sld [smem:$0x3F99];
	s0 =	simm.s32 @p0 $0x1  }
0x13: {  	[smem:$0x3FB4] =	sst s0;
	s0 =	simm.s32 @!p1 $0x0  }
0x14: {  	s2 =	sld [smem:$0x3F98];
	s0 =	simm.s32 @p1 $0x1  }
0x15: {  	[smem:$0x3FB5] =	sst s0;
	s0 =	simm.s32 @!p2 $0x0  }
0x16: {  	s3 =	sld [smem:$0x3FDB];
	s0 =	simm.s32 @p2 $0x1  }
0x17: {  	s4 =	simm.s32 $0x1BF5;
	[smem:$0x3FB7] =	sst s0  }
0x18: {  	s0 =	sld [smem:$0x3F9A];
	_ =	swait.ge [sflag:s4], $0x0  }
0x19: {  	s7 =	sld [smem:$0x3F9B]  }
0x1a: {  	s8 =	sadd.s32 $0xFFFFE003, lr  }
0x1b: {  	s9 =	sadd.s32 $0xFFFFFEF7, lr;
	s5 =	simm.s32 $0xFFFFFFFF;
	p2 =	slt.u32 s8, $0xFFFFF086  }
0x1c: {  	p1 =	slt.u32 s9, $0xF7A;
	s5 =	simm.s32 @!p2 $0x0  }
0x1d: {  	s5 =	simm.s32 @p1 $0x1;
	p0 =	seq.s32 s7, s2  }
0x1e: {  	s7 =	smul.u32 @!p0 $0xF7A, s2;
	p2 =	seq.s32 @!p0 s5, $0x0  }
0x1f: {  	s9 =	smul.u32 $0xF7A, s1;
	s8 =	simm.s32 @!p0 $0x1BF5;
	p2 =	por !p2, p0  }
0x20: {  	[sflag:s8] =	ssyncset.s32 @!p0 $0xFFFFF086;
	s6 =	sadd.s32 @!p0 s3, s7;
	s7 =	simm.s32 @!p0 $0x108  }
0x21: {  	s3 =	sadd.s32 s3, s9;
	s6 =	sadd.s32 @!p0 $0x88, s6;
	s7 =	simm.s32 @p2 $0x1082  }
0x22: {  	[simem:s7], [sflag:s8] =	dma.local @!p0 [hbm:s6], $0xF7A  }
0x23: {  	s9 =	sor.u32 $0xD0000000, s2;
	s6 =	simm.s32 $0x108;
	_ =	swait.ge @!p0 [sflag:s8], $0x0  }
0x24: {  	s3 =	sadd.s32 $0x88, s3;
	s6 =	simm.s32 @!p1 $0x1082;
	[sflag:s4] =	ssyncset.s32 $0xFFFFF086  }
0x25: {  	[simem:s6], [sflag:s4] =	dma.local [hbm:s3], $0xF7A  }
0x26: {  	[smem:$0x3F9B] =	sst s1;
	(tag) =	ssettag s2;
	_ =	strace s9  }
0x27: {  	s1 =	sld [smem:$0x3FAB]  }
0x28: {  	s2 =	sld [smem:$0x3FAC]  }
0x29: {  	s4 =	sld [smem:$0x3FAE]  }
0x2a: {  	p0 =	seq.s32 s5, $0x0;
	s5 =	sld [smem:$0x3FAF]  }
0x2b: {  	s6 =	sld [smem:$0x3FB0]  }
0x2c: {  	s7 =	sld [smem:$0x3FB1]  }
0x2d: {  	s3 =	simm.s32 $0x108;
	s8 =	sld [smem:$0x3FB2]  }
0x2e: {  	s3 =	simm.s32 @!p0 $0x1082;
	s9 =	sld [smem:$0x3FB3]  }
0x2f: {  	lr =	sadd.s32 s0, s3;
	s0 =	sld [smem:$0x3FAA]  }
0x30: {  	s3 =	sld [smem:$0x3FAD]  }
0x31: {  	[smem:$0x3FB6] =	sst s10  }
0x32: {  	s10 =	sld [smem:$0x3FB4];
	_ =	sdelay $0x3  }
0x33: {  	p0 =	seq.s32 s10, $0x1;
	s10 =	sld [smem:$0x3FB6];
	_ =	sdelay $0x3  }
0x34: {  	[smem:$0x3FB6] =	sst s10  }
0x35: {  	s10 =	sld [smem:$0x3FB5];
	_ =	sdelay $0x3  }
0x36: {  	p1 =	seq.s32 s10, $0x1;
	s10 =	sld [smem:$0x3FB6];
	_ =	sdelay $0x3  }
0x37: {  	[smem:$0x3FB6] =	sst s10  }
0x38: {  	s10 =	sld [smem:$0x3FB7]  }
0x39: {  	_ = 	snop;
	(pc) =	sbr.ind lr, $3  }
0x3a: {  	_ = 	snop  }
0x3b: {  	_ = 	snop  }
0x3c: {  	p2 =	seq.s32 s10, $0x1;
	s10 =	sld [smem:$0x3FB6]  }
0x3d: {  	_ =	shalt  }
0x3e: {  	_ =	shalt  }
0x3f: {  	_ =	shalt  }
0x40: {  	_ =	shalt  }
0x41: {  	_ =	shalt  }
0x42: {  	_ =	shalt  }
0x43: {  	_ =	shalt  }
0x44: {  	_ =	shalt  }
0x45: {  	_ =	shalt  }
0x46: {  	_ =	shalt  }
0x47: {  	_ =	shalt  }
0x48: {  	_ =	shalt  }
0x49: {  	_ =	shalt  }
0x4a: {  	_ =	shalt  }
0x4b: {  	_ =	shalt  }
0x4c: {  	_ =	shalt  }
0x4d: {  	_ =	shalt  }
0x4e: {  	_ =	shalt  }
0x4f: {  	_ =	shalt  }
0x50: {  	_ =	shalt  }
0x51: {  	_ =	shalt  }
0x52: {  	_ =	shalt  }
0x53: {  	_ =	shalt  }
0x54: {  	_ =	shalt  }
0x55: {  	_ =	shalt  }
0x56: {  	_ =	shalt  }
0x57: {  	_ =	shalt  }
0x58: {  	_ =	shalt  }
0x59: {  	_ =	shalt  }
0x5a: {  	_ =	shalt  }
0x5b: {  	_ =	shalt  }
0x5c: {  	_ =	shalt  }
0x5d: {  	_ =	shalt  }
0x5e: {  	_ =	shalt  }
0x5f: {  	_ =	shalt  }
0x60: {  	_ =	shalt  }
0x61: {  	_ =	shalt  }
0x62: {  	_ =	shalt  }
0x63: {  	_ =	shalt  }
0x64: {  	_ =	shalt  }
0x65: {  	_ =	shalt  }
0x66: {  	_ =	shalt  }
0x67: {  	_ =	shalt  }
0x68: {  	_ =	shalt  }
0x69: {  	_ =	shalt  }
0x6a: {  	_ =	shalt  }
0x6b: {  	_ =	shalt  }
0x6c: {  	_ =	shalt  }
0x6d: {  	_ =	shalt  }
0x6e: {  	_ =	shalt  }
0x6f: {  	_ =	shalt  }
0x70: {  	_ =	shalt  }
0x71: {  	_ =	shalt  }
0x72: {  	_ =	shalt  }
0x73: {  	_ =	shalt  }
0x74: {  	_ =	shalt  }
0x75: {  	_ =	shalt  }
0x76: {  	_ =	shalt  }
0x77: {  	_ =	shalt  }
0x78: {  	_ =	shalt  }
0x79: {  	_ =	shalt  }
0x7a: {  	_ =	shalt  }
0x7b: {  	_ =	shalt  }
0x7c: {  	_ =	shalt  }
0x7d: {  	_ =	shalt  }
0x7e: {  	_ =	shalt  }
0x7f: {  	_ =	shalt  }
0x80: {  	_ =	shalt  }
0x81: {  	_ =	shalt  }
0x82: {  	_ =	shalt  }
0x83: {  	_ =	shalt  }
0x84: {  	_ =	shalt  }
0x85: {  	_ =	shalt  }
0x86: {  	_ =	shalt  }
0x87: {  	_ =	shalt  }
.Lfunc_end0:
.L_simem_size_0:
called_computation_lowered:
.L_overlay_start_0:
0x88: {  	s2 =	sld [smem:$0x3FD9]  }
0x89: {  	s3 =	sld [smem:$0x3FFE];
	_ =	sdelay $0x1  }
0x8a: {  	s1 =	srdreg.scid  }
0x8b: {  	s0 =	sand.u32 $0x1, s1  }
0x8c: {  	s16 =	sshll.u32 s0, $0xA;
	s2 =	sadd.s32 s3, s2  }
0x8d: {  	s2 =	sadd.s32 s2, s16  }
0x8e: {  	[smem:$0x3FC2] =	sst s2  }
0x8f: {  	_ = 	snop  }
0x90: {  	(tm) =	ssettm $0x1  }
0x91: {  	s17 =	sld [smem:$0x3FFB];
	_ =	sdelay $0x3  }
0x92: {  	_ =	strace s17  }
0x93: {  	s2 =	sld [smem:$0x3FFC];
	_ =	sdelay $0x3  }
0x94: {  	_ =	strace s2  }
0x95: {  	s2 =	sld [smem:$0x3FFD];
	_ =	sdelay $0x3  }
0x96: {  	_ =	strace s2  }
0x97: {  	_ =	strace $0x8FFFFFFF  }
0x98: {  	s18 =	sld [smem:$0x3FDB];
	_ =	sdelay $0x1  }
0x99: {  	s19 =	simm.s32 $_scs_section_size  }
0x9a: {  	s4 =	simm.s32 $_size__tile_overlayer_lowered;
	s5 =	simm.s32 $_tile_overlayer_lowered  }
0x9b: {  	s22 =	simm.s32 $0x1BFF;
	s21 =	sshll.u32 s5, $0x1;
	s2 =	sadd.s32 s19, s18  }
0x9c: {  	s6 =	simm.s32 $0x0;
	s20 =	sshll.u32 s4, $0x1;
	s4 =	sadd.s32 s21, s2  }
0x9d: {  	[timem:s6], [sflag:s22] =	dma.local [hbm:s4], s20  }
0x9e: {  	_ =	swait.ge [sflag:s22], s20  }
0x9f: {  	s3 =	ssub.s32 $0x0, s20;
	[sflag:s22] =	ssyncset.done $0x0  }
0xa0: {  	[sflag:s22] =	ssyncadd.s32 s3;
	_ =	sdelay $0x1  }
0xa1: {  	s23 =	simm.s32 $0x1B8B  }
0xa2: {  	_ =	swait.ge [sflag:s23], $0x1  }
0xa3: {  	[sflag:s23] =	ssyncset.done $0x0  }
0xa4: {  	s25 =	simm.s32 $0x1B8E;
	s24 =	sld [smem:$0x3FFE];
	[sflag:s23] =	ssyncadd.s32 $0xFFFFFFFF  }
0xa5: {  	s26 =	simm.s32 $execute0_lowered;
	[smem:$0x3FD2] =	sst s25  }
0xa6: {  	s4 =	sshll.u32 s26, $0x1;
	_ =	strace $0x80000046;
	[dreg:$0x1] =	wrdreg $0xFFFFFFFF  }
0xa7: {  	s28 =	simm.s32 $_size_execute0_lowered;
	s2 =	sadd.s32 s2, s4;
	[dreg:$0x0] =	wrdreg $0x0  }
0xa8: {  	s4 =	sshll.u32 s28, $0x1;
	[dreg:$0x2] =	wrdreg s2  }
0xa9: {  	[dreg:$0x3] =	wrdreg s4  }
0xaa: {  	[dreg:$0x4] =	wrdreg $0xC0  }
0xab: {  	_ =	task [dreg:s6], $0x5FFFF  }
0xac: {  	[dreg:$0x1] =	wrdreg $0xFFFFFFFF  }
0xad: {  	[dreg:$0x0] =	wrdreg $0x60  }
0xae: {  	[dreg:$0x2] =	wrdreg s24  }
0xaf: {  	[dreg:$0x3] =	wrdreg $0x9  }
0xb0: {  	_ =	task.clear_ibuf [dreg:s6], $0x4FFFF;
	_ =	strace $0x90000046  }
0xb1: {  	s29 =	simm.s32 $0x9;
	_ =	strace $0x80000048  }
0xb2: {  	_ =	swait.ge [sflag:s29], $0x1  }
0xb3: {  	[sflag:s29] =	ssyncadd.s32 $0xFFFFFFFF  }
0xb4: {  	_ =	strace $0x90000048  }
0xb5: {  	_ =	sfence  }
0xb6: {  	s30 =	sld [smem:$0x0];
	_ =	sdelay $0x2  }
0xb7: {  	s31 =	sshll.u32 s1, $0xD;
	s1 =	sshrl.u32 s1, $0x2  }
0xb8: {  	s3 =	sand.u32 $0x4000, s31;
	s1 =	sadd.s32 s1, s30  }
0xb9: {  	s0 =	sor.u32 s3, s0;
	s1 =	sshll.u32 s1, $0x11  }
0xba: {  	s0 =	sor.u32 s1, s0  }
0xbb: {  	s0 =	sadd.s32 $0x8F2B, s0  }
0xbc: {  	[sflag:s0] =	ssyncadd.remote.s32 $0x1  }
0xbd: {  	_ =	sfence.sel $0xFFFF  }
0xbe: {  	[dreg:$0x0] =	wrdreg $0xFFFFFFFF;
	(pc) =	sbr.abs _section_cstart, $3  }
0xbf: {  	[dreg:$0x1] =	wrdreg $0xFFFFFFFF  }
0xc0: {  	_ =	task.clear_ibuf [dreg:s6], $0x2FFFF;
	_ =	strace $0x9FFFFFFF  }
0xc1: {  	(tm) =	ssettm $0x7FFFFFFF  }
tec
execute0_lowered:
.L_overlay_start_1:
0x0: {  	(tag) =	ssettag $0x1  }
0x1: {  	s0 =	srdreg.scid;
	s4 =	rddreg [dreg:$0x0];
	s2 =	simm.s32 $0x0  }
0x2: {  	s15 =	simm.s32 $0x1;
	s16 =	simm.s32 $0x2710;
	s17 =	simm.s32 $0x2AF8  }
0x3: {  	s18 =	simm.s32 $0x2EE0;
	s19 =	simm.s32 $0x32C8;
	s20 =	simm.s32 $0x36B0  }
0x4: {  	s21 =	simm.s32 $0x3A98;
	s22 =	simm.s32 $0x3E80;
	s3 =	sand.u32 $0x1, s0  }
0x5: {  	s23 =	simm.s32 $0x4268;
	s0 =	stileid.u32;
	s1 =	sshll.u32 s3, $0x4  }
0x6: {  	s24 =	simm.s32 $0x4650;
	s25 =	simm.s32 $0x4A38;
	s5 =	sor.u32 s0, s1  }
0x7: {  	s26 =	simm.s32 $0x0;
	[smem:$0x7FF] =	sst s2;
	s6 =	smul.u32 $0x3E8, s5  }
0x8: {  	s3 =	ssub.s32 $0x2, s3;
	s1 =	rddreg [dreg:$0x1];
	s5 =	smul.u32 $0x4E2, s5  }
0x9: {  	_ =	strace $0x80000047;
	s7 =	sshrl.u32 s3, $0x1;
	s6 =	sshrl.u32 s6, $0x3  }
0xa: {  	s14 =	ssub.s32 s3, s7;
	s5 =	sadd.s32 s5, s4;
	s13 =	sadd.s32 s6, s4  }
0xb: {  	s14 =	smax.u32 s14, $0x1;
	s3 =	sadd.s32 $0x1A00, s5;
	s4 =	sadd.s32 $0xB800, s13  }
0xc: {  	s5 =	sadd.s32 $0xC7A0, s13;
	s6 =	sadd.s32 $0xD740, s13;
	s7 =	sadd.s32 $0xE6E0, s13  }
0xd: {  	s8 =	sadd.s32 $0xF680, s13;
	s9 =	sadd.s32 $0x10620, s13;
	s10 =	sadd.s32 $0x115C0, s13  }
0xe: {  	v0 =	vimm.f32 $0.0e+00;
	v1 =	vimm.f32 $1.000000000e+00;
	s11 =	sadd.s32 $0x12560, s13;
	s12 =	sadd.s32 $0x13500, s13;
	s13 =	sadd.s32 $0x144A0, s13  }
.LBB2_1:
0xf: {  	[tilespmem:s2], [sflag:$0x1] =	stream.linear.gather [hbm4b:s3+s2], $0x2710, $0x38;
	[tilespmem:$0x4E20] =	vst v63  }
0x10: {  	_ =	swait.ge [sflag:s15], $0x2710  }
0x11: {  	[sflag:s15] =	ssyncset.done $0x0  }
0x12: {  	s28 =	simm.s32 $0x0;
	[sflag:s15] =	ssyncadd.s32 $0xFFFFD8F0  }
.LBB2_2:
0x13: {  	p0 =	sne.s32 s28, $0x9C00  }
.Ltmp0:
0x14: {  	_ = 	snop;
	(pc) =	sbr.rel @p0 .LBB2_2-.Ltmp0, $3  }
0x15: {  	_ =	sdelay $0x1  }
0x16: {  	s29 =	sshra.s32 s28, $0x2  }
0x17: {  	s28 =	sadd.s32 $0x40, s28;
	[tilespmem:s29+$0x2710] =	vst v0  }
0x18: {  	s28 =	simm.s32 $0x0  }
.LBB2_4:
0x19: {  	s29 =	sshra.s32 s28, $0x2  }
0x1a: {  	v2 =	vld [tilespmem:s29+$0x0];
	_ =	sdelay $0x7  }
0x1b: {  	[tilespmem:v2+s16+$0x0] =	vst.idx.add.f32.msk $0xffff, v1  }
0x1c: {  	v2 =	vld [tilespmem:s29+$0x10];
	_ =	sdelay $0x7  }
0x1d: {  	[tilespmem:v2+s16+$0x0] =	vst.idx.add.f32.msk $0xffff, v1  }
0x1e: {  	v2 =	vld [tilespmem:s29+$0x20];
	_ =	sdelay $0x7  }
0x1f: {  	[tilespmem:v2+s16+$0x0] =	vst.idx.add.f32.msk $0xffff, v1  }
0x20: {  	v2 =	vld [tilespmem:s29+$0x30];
	_ =	sdelay $0x7  }
0x21: {  	[tilespmem:v2+s16+$0x0] =	vst.idx.add.f32.msk $0xffff, v1  }
0x22: {  	v2 =	vld [tilespmem:s29+$0x40];
	_ =	sdelay $0x2  }
0x23: {  	p0 =	sne.s32 s28, $0x9B00  }
.Ltmp1:
0x24: {  	_ = 	snop;
	(pc) =	sbr.rel @p0 .LBB2_4-.Ltmp1, $2  }
0x25: {  	_ =	sdelay $0x2  }
0x26: {  	s28 =	sadd.s32 $0x140, s28;
	[tilespmem:v2+s16+$0x0] =	vst.idx.add.f32.msk $0xffff, v1  }
0x27: {  	[hbm4b:s4+s2] =	stream.linear.scatter [tilespmem:s16], [sflag:$0x1], $0x3E8, $0x38;
	[tilespmem:$0x4E20] =	vst v63  }
0x28: {  	_ =	swait.ge [sflag:s15], $0x3E8  }
0x29: {  	[sflag:s15] =	ssyncset.done $0x0  }
0x2a: {  	[sflag:s15] =	ssyncadd.s32 $0xFFFFFC18  }
0x2b: {  	[hbm4b:s5+s2] =	stream.linear.scatter [tilespmem:s17], [sflag:$0x1], $0x3E8, $0x38;
	[tilespmem:$0x4E20] =	vst v63  }
0x2c: {  	_ =	swait.ge [sflag:s15], $0x3E8  }
0x2d: {  	[sflag:s15] =	ssyncset.done $0x0  }
0x2e: {  	[sflag:s15] =	ssyncadd.s32 $0xFFFFFC18  }
0x2f: {  	[hbm4b:s6+s2] =	stream.linear.scatter [tilespmem:s18], [sflag:$0x1], $0x3E8, $0x38;
	[tilespmem:$0x4E20] =	vst v63  }
0x30: {  	_ =	swait.ge [sflag:s15], $0x3E8  }
0x31: {  	[sflag:s15] =	ssyncset.done $0x0  }
0x32: {  	[sflag:s15] =	ssyncadd.s32 $0xFFFFFC18  }
0x33: {  	[hbm4b:s7+s2] =	stream.linear.scatter [tilespmem:s19], [sflag:$0x1], $0x3E8, $0x38;
	[tilespmem:$0x4E20] =	vst v63  }
0x34: {  	_ =	swait.ge [sflag:s15], $0x3E8  }
0x35: {  	[sflag:s15] =	ssyncset.done $0x0  }
0x36: {  	[sflag:s15] =	ssyncadd.s32 $0xFFFFFC18  }
0x37: {  	[hbm4b:s8+s2] =	stream.linear.scatter [tilespmem:s20], [sflag:$0x1], $0x3E8, $0x38;
	[tilespmem:$0x4E20] =	vst v63  }
0x38: {  	_ =	swait.ge [sflag:s15], $0x3E8  }
0x39: {  	[sflag:s15] =	ssyncset.done $0x0  }
0x3a: {  	[sflag:s15] =	ssyncadd.s32 $0xFFFFFC18  }
0x3b: {  	[hbm4b:s9+s2] =	stream.linear.scatter [tilespmem:s21], [sflag:$0x1], $0x3E8, $0x38;
	[tilespmem:$0x4E20] =	vst v63  }
0x3c: {  	_ =	swait.ge [sflag:s15], $0x3E8  }
0x3d: {  	[sflag:s15] =	ssyncset.done $0x0  }
0x3e: {  	[sflag:s15] =	ssyncadd.s32 $0xFFFFFC18  }
0x3f: {  	[hbm4b:s10+s2] =	stream.linear.scatter [tilespmem:s22], [sflag:$0x1], $0x3E8, $0x38;
	[tilespmem:$0x4E20] =	vst v63  }
0x40: {  	_ =	swait.ge [sflag:s15], $0x3E8  }
0x41: {  	[sflag:s15] =	ssyncset.done $0x0  }
0x42: {  	[sflag:s15] =	ssyncadd.s32 $0xFFFFFC18  }
0x43: {  	[hbm4b:s11+s2] =	stream.linear.scatter [tilespmem:s23], [sflag:$0x1], $0x3E8, $0x38;
	[tilespmem:$0x4E20] =	vst v63  }
0x44: {  	_ =	swait.ge [sflag:s15], $0x3E8  }
0x45: {  	[sflag:s15] =	ssyncset.done $0x0  }
0x46: {  	[sflag:s15] =	ssyncadd.s32 $0xFFFFFC18  }
0x47: {  	[hbm4b:s12+s2] =	stream.linear.scatter [tilespmem:s24], [sflag:$0x1], $0x3E8, $0x38;
	[tilespmem:$0x4E20] =	vst v63  }
0x48: {  	s26 =	sadd.s32 $0x1, s26;
	_ =	swait.ge [sflag:s15], $0x3E8  }
0x49: {  	p0 =	sne.s32 s26, s14;
	[sflag:s15] =	ssyncset.done $0x0  }
.Ltmp2:
0x4a: {  	[sflag:s15] =	ssyncadd.s32 $0xFFFFFC18;
	(pc) =	sbr.rel @p0 .LBB2_1-.Ltmp2, $4  }
0x4b: {  	[hbm4b:s13+s2] =	stream.linear.scatter [tilespmem:s25], [sflag:$0x1], $0x3E8, $0x38;
	[tilespmem:$0x4E20] =	vst v63  }
0x4c: {  	_ =	swait.ge [sflag:s15], $0x3E8  }
0x4d: {  	[sflag:s15] =	ssyncset.done $0x0  }
0x4e: {  	[sflag:s15] =	ssyncadd.s32 $0xFFFFFC18  }
0x4f: {  	_ =	sfence.sel $0x180000  }
0x50: {  	[bflag:$0x0] =	sbarrier.arrive $0xFFFF  }
0x51: {  	p0 =	sne.s32 s0, $0x0;
	_ =	strace $0x90000047  }
0x52: {  	s0 =	sadd.s32 @!p0 $0x100000, s1;
	[bflag:$0x2] =	sbarrier.arrive $0xFFFF  }
0x53: {  	[sflag:s0] =	ssyncadd.tile.s32 @!p0 $0x1;
	_ =	shalt  }
.Lfunc_end2:
_tile_overlayer_lowered:
.L_overlay_start_2:
0x54: {  	(tag) =	ssettag $0x2  }
0x55: {  	s0 =	rddreg [dreg:$0x0];
	s2 =	stileid.u32  }
0x56: {  	s1 =	rddreg [dreg:$0x1];
	p0 =	sne.s32 s2, $0x0  }
0x57: {  	s3 =	rddreg [dreg:$0x2];
	[bflag:$0x3] =	sbarrier.arrive $0xFFFF;
	s2 =	simm.s32 @!p0 $0x1C01  }
0x58: {  	[timem:s3], [sflag:s2] =	dma.local @!p0 [hbm:s0], s1  }
0x59: {  	s0 =	simm.s32 @!p0 $0x1  }
0x5a: {  	_ =	swait.ge @!p0 [sflag:s0], s1  }
0x5b: {  	s1 =	ssub.s32 @!p0 $0x0, s1;
	[sflag:s0] =	ssyncset.done @!p0 $0x0  }
0x5c: {  	[sflag:s0] =	ssyncadd.s32 @!p0 s1  }
0x5d: {  	[bflag:$0x3] =	sbarrier.arrive $0xFFFF  }
0x5e: {  	_ =	shalt  }

</sc_bundles>
